<compile_context>
chip_gen: v7x
topology: tpu7x:2x2x1
jax: 0.10.2.dev20260603
libtpu: 0.0.44.dev20260713+nightly
codegen_flags: <defaults>
</compile_context>

<pallas_src>
import functools

import jax
import jax.numpy as jnp
from jax import lax
from jax.experimental import pallas as pl
from jax.experimental.pallas import tpu as pltpu
from jax.experimental.pallas import tpu_sc as plsc

N = 10000
N_PAD = 10240
E = 320000
H = 128
HH = H // 2
NC = 2
NS = 16
NW = NC * NS
EPW = E // NW
NCHUNK = 100
CHUNK = EPW // NCHUNK
RPT = N_PAD // NS

_R = 1024

_MESH = plsc.VectorSubcoreMesh(core_axis_name="c", subcore_axis_name="s")


@functools.partial(
    pl.kernel,
    out_type=jax.ShapeDtypeStruct((NC, N_PAD, H), jnp.float32),
    mesh=_MESH,
    scratch_types=[
        pltpu.VMEM((NCHUNK, CHUNK), jnp.int32),
        pltpu.VMEM((NCHUNK, CHUNK), jnp.int32),
        pltpu.VMEM((CHUNK, H), jnp.float32),
        pltpu.VMEM_SHARED((N_PAD, H), jnp.float32),
        pltpu.SemaphoreType.DMA,
    ],
)
def _agg(hp, src, dst, zeros, out, src_v, dst_v, rb0, acc, sem0):
  cid = lax.axis_index("c")
  sid = lax.axis_index("s")
  wid = sid * NC + cid
  pltpu.sync_copy(src.at[wid], src_v)
  pltpu.sync_copy(dst.at[wid], dst_v)
  pltpu.sync_copy(zeros, acc.at[pl.ds(sid * RPT, RPT)])
  plsc.subcore_barrier()

  def gather(c, buf, sem):
    return pltpu.make_async_copy(hp.at[src_v.at[c]], buf, sem)

  def scat(c, buf):
    pltpu.sync_copy(buf, acc.at[dst_v.at[c]], add=True)

  def body(i, carry):
    g0 = gather(i, rb0, sem0)
    g0.start()
    g0.wait()
    scat(i, rb0)
    return carry

  lax.fori_loop(0, NCHUNK, body, 0)
  plsc.subcore_barrier()
  pltpu.sync_copy(acc.at[pl.ds(sid * RPT, RPT)],
                  out.at[cid, pl.ds(sid * RPT, RPT)])


@functools.partial(
    pl.kernel,
    out_type=jax.ShapeDtypeStruct((NC, N_PAD, H), jnp.float32),
    mesh=_MESH,
    scratch_types=[
        pltpu.VMEM((NCHUNK, CHUNK), jnp.int32),
        pltpu.VMEM((CHUNK, H), jnp.float32),
        pltpu.VMEM_SHARED((N_PAD, H), jnp.float32),
    ],
)
def _deg(dst, ones, zeros, out, dst_v, ones_v, acc):
  cid = lax.axis_index("c")
  sid = lax.axis_index("s")
  wid = sid * NC + cid
  pltpu.sync_copy(zeros, acc.at[pl.ds(sid * RPT, RPT)])
  pltpu.sync_copy(dst.at[wid], dst_v)
  pltpu.sync_copy(ones, ones_v)
  plsc.subcore_barrier()

  def body(c, carry):
    pltpu.sync_copy(ones_v, acc.at[dst_v.at[c]], add=True)
    return carry

  lax.fori_loop(0, NCHUNK, body, 0)
  plsc.subcore_barrier()
  pltpu.sync_copy(acc.at[pl.ds(sid * RPT, RPT)],
                  out.at[cid, pl.ds(sid * RPT, RPT)])


def _elu(v):
  return jnp.where(v > 0, v, jnp.exp(v) - 1.0)


_SPLIT_SPEC = pl.BlockSpec((_R, H), lambda i: (i, 0))
_PARTS_SPEC = pl.BlockSpec((NC, _R, H), lambda i: (0, i, 0))
_COL_SPEC = pl.BlockSpec((_R, 1), lambda i: (i, 0))


def _tc_first(x, W1, degp):
  D = x.shape[1]

  def body(x_ref, w_ref, d_ref, hp_ref, dinv_ref):
    deg = d_ref[0][:, 0:1] + d_ref[1][:, 0:1] + 1.0
    dinv = lax.rsqrt(deg)
    hp_ref[...] = (x_ref[...] @ w_ref[...]) * dinv
    dinv_ref[...] = dinv

  return pl.pallas_call(
      body,
      grid=(N_PAD // _R,),
      in_specs=[
          pl.BlockSpec((_R, D), lambda i: (i, 0)),
          pl.BlockSpec((D, H), lambda i: (0, 0)),
          pl.BlockSpec((2, _R, H), lambda i: (0, i, 0)),
      ],
      out_specs=[_SPLIT_SPEC, _COL_SPEC],
      out_shape=[
          jax.ShapeDtypeStruct((N_PAD, H), jnp.float32),
          jax.ShapeDtypeStruct((N_PAD, 1), jnp.float32),
      ],
  )(x, W1, degp)


def _tc_mid(parts, hp, dinv, b, Wn):

  def body(p_ref, hp_ref, dinv_ref, b_ref, w_ref, o_ref):
    dinv = dinv_ref[...]
    z = _elu(dinv * (p_ref[0] + p_ref[1] + hp_ref[...]) + b_ref[...])
    o_ref[...] = (z @ w_ref[...]) * dinv

  return pl.pallas_call(
      body,
      grid=(N_PAD // _R,),
      in_specs=[
          _PARTS_SPEC,
          _SPLIT_SPEC,
          _COL_SPEC,
          pl.BlockSpec((1, H), lambda i: (0, 0)),
          pl.BlockSpec((H, H), lambda i: (0, 0)),
      ],
      out_specs=_SPLIT_SPEC,
      out_shape=jax.ShapeDtypeStruct((N_PAD, H), jnp.float32),
  )(parts, hp, dinv, b, Wn)


def _tc_final(parts, hp, dinv, b, Wc, bc):

  def body(p_ref, hp_ref, dinv_ref, b_ref, w_ref, bc_ref, o_ref):
    z = _elu(dinv_ref[...] * (p_ref[0] + p_ref[1] + hp_ref[...]) + b_ref[...])
    o_ref[...] = z @ w_ref[...] + bc_ref[...]

  return pl.pallas_call(
      body,
      grid=(N_PAD // _R,),
      in_specs=[
          _PARTS_SPEC,
          _SPLIT_SPEC,
          _COL_SPEC,
          pl.BlockSpec((1, H), lambda i: (0, 0)),
          pl.BlockSpec((H, 1), lambda i: (0, 0)),
          pl.BlockSpec((1, 1), lambda i: (0, 0)),
      ],
      out_specs=pl.BlockSpec((_R, 1), lambda i: (i, 0)),
      out_shape=jax.ShapeDtypeStruct((N_PAD, 1), jnp.float32),
  )(parts, hp, dinv, b, Wc, bc)


def kernel(x, edge_index, W1, b1, W2, b2, W3, b3, W4, b4, W5, b5, Wc, bc):
  f32 = jnp.float32
  src = edge_index[0].reshape(NW, NCHUNK, CHUNK)
  dst = edge_index[1].reshape(NW, NCHUNK, CHUNK)
  xp = jnp.pad(x, ((0, N_PAD - N), (0, 0)))
  zh = jnp.zeros((RPT, H), f32)
  z16 = jnp.zeros((RPT, H), f32)
  ones16 = jnp.ones((CHUNK, H), f32)

  W4p = jnp.pad(W4, ((0, 0), (0, H - 11)))
  b4p = jnp.pad(b4, (0, H - 11)).reshape(1, H)
  W5p = jnp.pad(W5, ((0, H - 11), (0, H - 11)))
  b5p = jnp.pad(b5, (0, H - 11)).reshape(1, H)
  Wcp = jnp.pad(Wc, ((0, H - 11), (0, 0)))

  degp = _deg(dst, ones16, z16)
  h1, dinv = _tc_first(xp, W1, degp)
  p1 = _agg(h1, src, dst, zh)
  h2 = _tc_mid(p1, h1, dinv, b1.reshape(1, H), W2)
  p2 = _agg(h2, src, dst, zh)
  h3 = _tc_mid(p2, h2, dinv, b2.reshape(1, H), W3)
  p3 = _agg(h3, src, dst, zh)
  h4 = _tc_mid(p3, h3, dinv, b3.reshape(1, H), W4p)
  p4 = _agg(h4, src, dst, zh)
  h5 = _tc_mid(p4, h4, dinv, b4p, W5p)
  p5 = _agg(h5, src, dst, zh)
  out = _tc_final(p5, h5, dinv, b5p, Wcp, bc.reshape(1, 1))
  return out[:N]

# --- scband reference (transcript-rebuilt; emitter-appended) ---
"""Pipeline reference for scband-network-83141976916791 (READ-ONLY COPY).

The authoritative reference and input builder live on the scoring server;
editing this copy changes nothing except your own understanding.
"""

import jax, jax.numpy as jnp
import numpy as np

N = 10000
E = 320000
D_IN = 128
H = 128

def setup_inputs(seed: int = 0) -> dict:
    key = jax.random.key(seed)
    ks = jax.random.split(key, 16)
    x = jax.random.normal(ks[0], (N, D_IN), dtype=jnp.float32)
    edge_index = jax.random.randint(ks[1], (2, E), 0, N, dtype=jnp.int32)
    def lin(k, fan_in, fan_out):
        kw, kb = jax.random.split(k)
        bound = 1.0 / np.sqrt(fan_in)
        W = jax.random.uniform(kw, (fan_in, fan_out), dtype=jnp.float32, minval=-bound, maxval=bound)
        b = jax.random.uniform(kb, (fan_out,), dtype=jnp.float32, minval=-bound, maxval=bound)
        return W, b
    W1, b1 = lin(ks[2], D_IN, H)
    W2, b2 = lin(ks[3], H, H)
    W3, b3 = lin(ks[4], H, H)
    W4, b4 = lin(ks[5], H, 11)
    W5, b5 = lin(ks[6], 11, 11)
    Wc, bc = lin(ks[7], 11, 1)
    return {"x": x, "edge_index": edge_index,
            "W1": W1, "b1": b1, "W2": W2, "b2": b2, "W3": W3, "b3": b3,
            "W4": W4, "b4": b4, "W5": W5, "b5": b5, "Wc": Wc, "bc": bc}

def _gcn_conv(x, edge_index, W, b):
    n = x.shape[0]
    h = x @ W
    loop = jnp.arange(n, dtype=edge_index.dtype)
    src = jnp.concatenate([edge_index[0], loop])
    dst = jnp.concatenate([edge_index[1], loop])
    deg = jnp.zeros((n,), dtype=h.dtype).at[dst].add(1.0)
    dinv = jnp.where(deg > 0, 1.0 / jnp.sqrt(deg), 0.0)
    norm = dinv[src] * dinv[dst]
    msg = h[src] * norm[:, None]
    out = jnp.zeros((n, h.shape[1]), dtype=h.dtype).at[dst].add(msg)
    return out + b

def reference(x, edge_index, W1, b1, W2, b2, W3, b3, W4, b4, W5, b5, Wc, bc):
    # eval mode: dropout is identity
    out = jax.nn.elu(_gcn_conv(x, edge_index, W1, b1))
    out = jax.nn.elu(_gcn_conv(out, edge_index, W2, b2))
    out = jax.nn.elu(_gcn_conv(out, edge_index, W3, b3))
    out = jax.nn.elu(_gcn_conv(out, edge_index, W4, b4))
    out = jax.nn.elu(_gcn_conv(out, edge_index, W5, b5))
    out = out @ Wc + bc
    return out

if __name__ == "__main__":
    import jax
    _d = setup_inputs()
    print(jax.jit(kernel)(*tuple(_d.values())))

</pallas_src>

<mosaic_0001>
#map = affine_map<(d0, d1) -> (0, 0)>
#map1 = affine_map<(d0, d1) -> (0, 0, 0)>
module attributes {stable_mosaic.version = 14 : i64} {
  func.func @_agg(%arg0: i32, %arg1: i32, %arg2: memref<10240x128xf32, #tpu.memory_space<hbm>>, %arg3: memref<32x100x100xi32, #tpu.memory_space<hbm>>, %arg4: memref<32x100x100xi32, #tpu.memory_space<hbm>>, %arg5: memref<640x128xf32, #tpu.memory_space<hbm>>, %arg6: memref<2x10240x128xf32, #tpu.memory_space<hbm>>, %arg7: memref<100x100xi32, #tpu.memory_space<vmem>>, %arg8: memref<100x100xi32, #tpu.memory_space<vmem>>, %arg9: memref<100x128xf32, #tpu.memory_space<vmem>>, %arg10: memref<10240x128xf32, #tpu.memory_space<vmem_shared>>, %arg11: memref<!tpu.dma_semaphore, #tpu.memory_space<semaphore_mem>>) attributes {dimension_semantics = [#tpu.dimension_semantics<core_parallel>, #tpu.dimension_semantics<subcore_parallel>], iteration_bounds = array<i64: 2, 16>, scalar_prefetch = 0 : i64, scratch_operands = 5 : i64, tpu.core_type = #tpu.core_type<sc_vector_subcore>, window_params = [{transform_indices = #map}, {transform_indices = #map1}, {transform_indices = #map1}, {transform_indices = #map}, {transform_indices = #map1}]} {
    %mul3A = arith.constant 2 : i32
    %mul3A_0 = arith.muli %arg1, %mul3A : i32
    %add3A = arith.addi %mul3A_0, %arg0 : i32
    "tpu.region"() ({
      %run_scoped3A = tpu.sem_alloc : memref<!tpu.dma_semaphore, #tpu.memory_space<semaphore_mem>>
      %dma_start3A = arith.constant 0 : i32
      %dma_start3A_13 = arith.constant 0 : i32
      %dma_start3A_14 = tpu.memref_slice %arg3[%add3A, %dma_start3A, %dma_start3A_13] : memref<32x100x100xi32, #tpu.memory_space<hbm>> -> memref<1x100x100xi32, #tpu.memory_space<hbm>>
      %dma_start3A_15 = tpu.memref_squeeze %dma_start3A_14 : memref<1x100x100xi32, #tpu.memory_space<hbm>> -> memref<100x100xi32, #tpu.memory_space<hbm>>
      %dma_start3A_16 = arith.constant 0 : i32
      %dma_start3A_17 = arith.constant 0 : i32
      %dma_start3A_18 = tpu.memref_slice %arg3[%add3A, %dma_start3A_16, %dma_start3A_17] : memref<32x100x100xi32, #tpu.memory_space<hbm>> -> memref<1x100x100xi32, #tpu.memory_space<hbm>>
      %dma_start3A_19 = tpu.memref_squeeze %dma_start3A_18 : memref<1x100x100xi32, #tpu.memory_space<hbm>> -> memref<100x100xi32, #tpu.memory_space<hbm>>
      tpu.enqueue_dma source(%dma_start3A_19 : memref<100x100xi32, #tpu.memory_space<hbm>>) target(%arg7 : memref<100x100xi32, #tpu.memory_space<vmem>>) target_semaphore(%run_scoped3A : memref<!tpu.dma_semaphore, #tpu.memory_space<semaphore_mem>>)
      %dma_wait3A = arith.constant 0 : i32
      %dma_wait3A_20 = arith.constant 0 : i32
      %dma_wait3A_21 = tpu.memref_slice %arg3[%add3A, %dma_wait3A, %dma_wait3A_20] : memref<32x100x100xi32, #tpu.memory_space<hbm>> -> memref<1x100x100xi32, #tpu.memory_space<hbm>>
      %dma_wait3A_22 = tpu.memref_squeeze %dma_wait3A_21 : memref<1x100x100xi32, #tpu.memory_space<hbm>> -> memref<100x100xi32, #tpu.memory_space<hbm>>
      %dma_wait3A_23 = arith.constant 0 : i32
      %dma_wait3A_24 = arith.constant 0 : i32
      %dma_wait3A_25 = tpu.memref_slice %arg3[%add3A, %dma_wait3A_23, %dma_wait3A_24] : memref<32x100x100xi32, #tpu.memory_space<hbm>> -> memref<1x100x100xi32, #tpu.memory_space<hbm>>
      %dma_wait3A_26 = tpu.memref_squeeze %dma_wait3A_25 : memref<1x100x100xi32, #tpu.memory_space<hbm>> -> memref<100x100xi32, #tpu.memory_space<hbm>>
      tpu.wait_dma2 semaphore(%run_scoped3A : memref<!tpu.dma_semaphore, #tpu.memory_space<semaphore_mem>>) src(%dma_wait3A_26 : memref<100x100xi32, #tpu.memory_space<hbm>>) dst(%arg7 : memref<100x100xi32, #tpu.memory_space<vmem>>)
      tpu.yield
    }) : () -> ()
    "tpu.region"() ({
      %run_scoped3A = tpu.sem_alloc : memref<!tpu.dma_semaphore, #tpu.memory_space<semaphore_mem>>
      %dma_start3A = arith.constant 0 : i32
      %dma_start3A_13 = arith.constant 0 : i32
      %dma_start3A_14 = tpu.memref_slice %arg4[%add3A, %dma_start3A, %dma_start3A_13] : memref<32x100x100xi32, #tpu.memory_space<hbm>> -> memref<1x100x100xi32, #tpu.memory_space<hbm>>
      %dma_start3A_15 = tpu.memref_squeeze %dma_start3A_14 : memref<1x100x100xi32, #tpu.memory_space<hbm>> -> memref<100x100xi32, #tpu.memory_space<hbm>>
      %dma_start3A_16 = arith.constant 0 : i32
      %dma_start3A_17 = arith.constant 0 : i32
      %dma_start3A_18 = tpu.memref_slice %arg4[%add3A, %dma_start3A_16, %dma_start3A_17] : memref<32x100x100xi32, #tpu.memory_space<hbm>> -> memref<1x100x100xi32, #tpu.memory_space<hbm>>
      %dma_start3A_19 = tpu.memref_squeeze %dma_start3A_18 : memref<1x100x100xi32, #tpu.memory_space<hbm>> -> memref<100x100xi32, #tpu.memory_space<hbm>>
      tpu.enqueue_dma source(%dma_start3A_19 : memref<100x100xi32, #tpu.memory_space<hbm>>) target(%arg8 : memref<100x100xi32, #tpu.memory_space<vmem>>) target_semaphore(%run_scoped3A : memref<!tpu.dma_semaphore, #tpu.memory_space<semaphore_mem>>)
      %dma_wait3A = arith.constant 0 : i32
      %dma_wait3A_20 = arith.constant 0 : i32
      %dma_wait3A_21 = tpu.memref_slice %arg4[%add3A, %dma_wait3A, %dma_wait3A_20] : memref<32x100x100xi32, #tpu.memory_space<hbm>> -> memref<1x100x100xi32, #tpu.memory_space<hbm>>
      %dma_wait3A_22 = tpu.memref_squeeze %dma_wait3A_21 : memref<1x100x100xi32, #tpu.memory_space<hbm>> -> memref<100x100xi32, #tpu.memory_space<hbm>>
      %dma_wait3A_23 = arith.constant 0 : i32
      %dma_wait3A_24 = arith.constant 0 : i32
      %dma_wait3A_25 = tpu.memref_slice %arg4[%add3A, %dma_wait3A_23, %dma_wait3A_24] : memref<32x100x100xi32, #tpu.memory_space<hbm>> -> memref<1x100x100xi32, #tpu.memory_space<hbm>>
      %dma_wait3A_26 = tpu.memref_squeeze %dma_wait3A_25 : memref<1x100x100xi32, #tpu.memory_space<hbm>> -> memref<100x100xi32, #tpu.memory_space<hbm>>
      tpu.wait_dma2 semaphore(%run_scoped3A : memref<!tpu.dma_semaphore, #tpu.memory_space<semaphore_mem>>) src(%dma_wait3A_26 : memref<100x100xi32, #tpu.memory_space<hbm>>) dst(%arg8 : memref<100x100xi32, #tpu.memory_space<vmem>>)
      tpu.yield
    }) : () -> ()
    %mul3A_1 = arith.constant 640 : i32
    %mul3A_2 = arith.muli %arg1, %mul3A_1 : i32
    "tpu.region"() ({
      %run_scoped3A = tpu.sem_alloc : memref<!tpu.dma_semaphore, #tpu.memory_space<semaphore_mem>>
      %dma_start3A = arith.constant 0 : i32
      %dma_start3A_13 = tpu.memref_slice %arg10[%mul3A_2, %dma_start3A] : memref<10240x128xf32, #tpu.memory_space<vmem_shared>> -> memref<640x128xf32, #tpu.memory_space<vmem_shared>>
      tpu.enqueue_dma source(%arg5 : memref<640x128xf32, #tpu.memory_space<hbm>>) target(%dma_start3A_13 : memref<640x128xf32, #tpu.memory_space<vmem_shared>>) target_semaphore(%run_scoped3A : memref<!tpu.dma_semaphore, #tpu.memory_space<semaphore_mem>>)
      %dma_wait3A = arith.constant 0 : i32
      %dma_wait3A_14 = tpu.memref_slice %arg10[%mul3A_2, %dma_wait3A] : memref<10240x128xf32, #tpu.memory_space<vmem_shared>> -> memref<640x128xf32, #tpu.memory_space<vmem_shared>>
      tpu.wait_dma2 semaphore(%run_scoped3A : memref<!tpu.dma_semaphore, #tpu.memory_space<semaphore_mem>>) src(%arg5 : memref<640x128xf32, #tpu.memory_space<hbm>>) dst(%dma_wait3A_14 : memref<640x128xf32, #tpu.memory_space<vmem_shared>>)
      tpu.yield
    }) : () -> ()
    %barrier3A = arith.constant 0 : index
    tpu.barrier barrier_id(%barrier3A)
    %scan3A = arith.constant 0 : i32
    %scan3A_3 = arith.constant 0 : i32
    %scan3A_4 = arith.constant 100 : i32
    %scan3A_5 = arith.addi %scan3A_3, %scan3A_4 : i32
    %scan3A_6 = arith.constant 1 : i32
    scf.for %scan3A_13 = %scan3A_3 to %scan3A_5 step %scan3A_6  : i32 {
      %dma_start3A = arith.constant 0 : i32
      %dma_start3A_14 = tpu.memref_slice %arg7[%scan3A_13, %dma_start3A] : memref<100x100xi32, #tpu.memory_space<vmem>> -> memref<1x100xi32, #tpu.memory_space<vmem>>
      %dma_start3A_15 = tpu.memref_squeeze %dma_start3A_14 : memref<1x100xi32, #tpu.memory_space<vmem>> -> memref<100xi32, #tpu.memory_space<vmem>>
      %dma_start3A_16 = arith.constant 0 : i32
      %dma_start3A_17 = arith.constant 0 : i32
      %dma_start3A_18 = tpu.memref_slice %arg2[%dma_start3A_16, %dma_start3A_17] : memref<10240x128xf32, #tpu.memory_space<hbm>> -> memref<10240x128xf32, #tpu.memory_space<hbm>>
      tpu.enqueue_indirect_dma source(%dma_start3A_18 : memref<10240x128xf32, #tpu.memory_space<hbm>>) target(%arg9 : memref<100x128xf32, #tpu.memory_space<vmem>>) offsets(%dma_start3A_15 : memref<100xi32, #tpu.memory_space<vmem>>) semaphore(%arg11 : memref<!tpu.dma_semaphore, #tpu.memory_space<semaphore_mem>>)
      %dma_wait3A = arith.constant 0 : i32
      %dma_wait3A_19 = tpu.memref_slice %arg7[%scan3A_13, %dma_wait3A] : memref<100x100xi32, #tpu.memory_space<vmem>> -> memref<1x100xi32, #tpu.memory_space<vmem>>
      %dma_wait3A_20 = tpu.memref_squeeze %dma_wait3A_19 : memref<1x100xi32, #tpu.memory_space<vmem>> -> memref<100xi32, #tpu.memory_space<vmem>>
      %dma_wait3A_21 = arith.constant 0 : i32
      %dma_wait3A_22 = arith.constant 0 : i32
      %dma_wait3A_23 = tpu.memref_slice %arg2[%dma_wait3A_21, %dma_wait3A_22] : memref<10240x128xf32, #tpu.memory_space<hbm>> -> memref<10240x128xf32, #tpu.memory_space<hbm>>
      tpu.wait_indirect_dma semaphore(%arg11 : memref<!tpu.dma_semaphore, #tpu.memory_space<semaphore_mem>>) src(%dma_wait3A_23 : memref<10240x128xf32, #tpu.memory_space<hbm>>) dst(%arg9 : memref<100x128xf32, #tpu.memory_space<vmem>>)
      "tpu.region"() ({
        %run_scoped3A = tpu.sem_alloc : memref<!tpu.dma_semaphore, #tpu.memory_space<semaphore_mem>>
        %dma_start3A_24 = arith.constant 0 : i32
        %dma_start3A_25 = tpu.memref_slice %arg8[%scan3A_13, %dma_start3A_24] : memref<100x100xi32, #tpu.memory_space<vmem>> -> memref<1x100xi32, #tpu.memory_space<vmem>>
        %dma_start3A_26 = tpu.memref_squeeze %dma_start3A_25 : memref<1x100xi32, #tpu.memory_space<vmem>> -> memref<100xi32, #tpu.memory_space<vmem>>
        %dma_start3A_27 = arith.constant 0 : i32
        %dma_start3A_28 = arith.constant 0 : i32
        %dma_start3A_29 = tpu.memref_slice %arg10[%dma_start3A_27, %dma_start3A_28] : memref<10240x128xf32, #tpu.memory_space<vmem_shared>> -> memref<10240x128xf32, #tpu.memory_space<vmem_shared>>
        tpu.enqueue_indirect_dma source(%arg9 : memref<100x128xf32, #tpu.memory_space<vmem>>) target(%dma_start3A_29 : memref<10240x128xf32, #tpu.memory_space<vmem_shared>>) offsets(%dma_start3A_26 : memref<100xi32, #tpu.memory_space<vmem>>) semaphore(%run_scoped3A : memref<!tpu.dma_semaphore, #tpu.memory_space<semaphore_mem>>) {add = true}
        %dma_wait3A_30 = arith.constant 0 : i32
        %dma_wait3A_31 = tpu.memref_slice %arg8[%scan3A_13, %dma_wait3A_30] : memref<100x100xi32, #tpu.memory_space<vmem>> -> memref<1x100xi32, #tpu.memory_space<vmem>>
        %dma_wait3A_32 = tpu.memref_squeeze %dma_wait3A_31 : memref<1x100xi32, #tpu.memory_space<vmem>> -> memref<100xi32, #tpu.memory_space<vmem>>
        %dma_wait3A_33 = arith.constant 0 : i32
        %dma_wait3A_34 = arith.constant 0 : i32
        %dma_wait3A_35 = tpu.memref_slice %arg10[%dma_wait3A_33, %dma_wait3A_34] : memref<10240x128xf32, #tpu.memory_space<vmem_shared>> -> memref<10240x128xf32, #tpu.memory_space<vmem_shared>>
        tpu.wait_indirect_dma semaphore(%run_scoped3A : memref<!tpu.dma_semaphore, #tpu.memory_space<semaphore_mem>>) src(%arg9 : memref<100x128xf32, #tpu.memory_space<vmem>>) dst(%dma_wait3A_35 : memref<10240x128xf32, #tpu.memory_space<vmem_shared>>)
        tpu.yield
      }) : () -> ()
    }
    %scan3A_7 = arith.constant 100 : i32
    %barrier3A_8 = arith.constant 0 : index
    tpu.barrier barrier_id(%barrier3A_8)
    %mul3A_9 = arith.constant 640 : i32
    %mul3A_10 = arith.muli %arg1, %mul3A_9 : i32
    %mul3A_11 = arith.constant 640 : i32
    %mul3A_12 = arith.muli %arg1, %mul3A_11 : i32
    "tpu.region"() ({
      %run_scoped3A = tpu.sem_alloc : memref<!tpu.dma_semaphore, #tpu.memory_space<semaphore_mem>>
      %dma_start3A = arith.constant 0 : i32
      %dma_start3A_13 = tpu.memref_slice %arg6[%arg0, %mul3A_12, %dma_start3A] : memref<2x10240x128xf32, #tpu.memory_space<hbm>> -> memref<1x640x128xf32, #tpu.memory_space<hbm>>
      %dma_start3A_14 = tpu.memref_squeeze %dma_start3A_13 : memref<1x640x128xf32, #tpu.memory_space<hbm>> -> memref<640x128xf32, #tpu.memory_space<hbm>>
      %dma_start3A_15 = arith.constant 0 : i32
      %dma_start3A_16 = tpu.memref_slice %arg10[%mul3A_10, %dma_start3A_15] : memref<10240x128xf32, #tpu.memory_space<vmem_shared>> -> memref<640x128xf32, #tpu.memory_space<vmem_shared>>
      tpu.enqueue_dma source(%dma_start3A_16 : memref<640x128xf32, #tpu.memory_space<vmem_shared>>) target(%dma_start3A_14 : memref<640x128xf32, #tpu.memory_space<hbm>>) target_semaphore(%run_scoped3A : memref<!tpu.dma_semaphore, #tpu.memory_space<semaphore_mem>>)
      %dma_wait3A = arith.constant 0 : i32
      %dma_wait3A_17 = tpu.memref_slice %arg6[%arg0, %mul3A_12, %dma_wait3A] : memref<2x10240x128xf32, #tpu.memory_space<hbm>> -> memref<1x640x128xf32, #tpu.memory_space<hbm>>
      %dma_wait3A_18 = tpu.memref_squeeze %dma_wait3A_17 : memref<1x640x128xf32, #tpu.memory_space<hbm>> -> memref<640x128xf32, #tpu.memory_space<hbm>>
      %dma_wait3A_19 = arith.constant 0 : i32
      %dma_wait3A_20 = tpu.memref_slice %arg10[%mul3A_10, %dma_wait3A_19] : memref<10240x128xf32, #tpu.memory_space<vmem_shared>> -> memref<640x128xf32, #tpu.memory_space<vmem_shared>>
      tpu.wait_dma2 semaphore(%run_scoped3A : memref<!tpu.dma_semaphore, #tpu.memory_space<semaphore_mem>>) src(%dma_wait3A_20 : memref<640x128xf32, #tpu.memory_space<vmem_shared>>) dst(%dma_wait3A_18 : memref<640x128xf32, #tpu.memory_space<hbm>>)
      tpu.yield
    }) : () -> ()
    return
  }
}

#map = affine_map<(d0, d1) -> (0, 0)>
#map1 = affine_map<(d0, d1) -> (0, 0, 0)>
module attributes {stable_mosaic.version = 14 : i64} {
  func.func @_agg(%arg0: i32, %arg1: i32, %arg2: memref<10240x128xf32, #tpu.memory_space<hbm>>, %arg3: memref<32x100x100xi32, #tpu.memory_space<hbm>>, %arg4: memref<32x100x100xi32, #tpu.memory_space<hbm>>, %arg5: memref<640x128xf32, #tpu.memory_space<hbm>>, %arg6: memref<2x10240x128xf32, #tpu.memory_space<hbm>>, %arg7: memref<100x100xi32, #tpu.memory_space<vmem>>, %arg8: memref<100x100xi32, #tpu.memory_space<vmem>>, %arg9: memref<100x128xf32, #tpu.memory_space<vmem>>, %arg10: memref<10240x128xf32, #tpu.memory_space<vmem_shared>>, %arg11: memref<!tpu.dma_semaphore, #tpu.memory_space<semaphore_mem>>) attributes {dimension_semantics = [#tpu.dimension_semantics<core_parallel>, #tpu.dimension_semantics<subcore_parallel>], iteration_bounds = array<i64: 2, 16>, scalar_prefetch = 0 : i64, scratch_operands = 5 : i64, tpu.core_type = #tpu.core_type<sc_vector_subcore>, window_params = [{transform_indices = #map}, {transform_indices = #map1}, {transform_indices = #map1}, {transform_indices = #map}, {transform_indices = #map1}]} {
    %mul3A = arith.constant 2 : i32
    %mul3A_0 = arith.muli %arg1, %mul3A : i32
    %add3A = arith.addi %mul3A_0, %arg0 : i32
    "tpu.region"() ({
      %run_scoped3A = tpu.sem_alloc : memref<!tpu.dma_semaphore, #tpu.memory_space<semaphore_mem>>
      %dma_start3A = arith.constant 0 : i32
      %dma_start3A_13 = arith.constant 0 : i32
      %dma_start3A_14 = tpu.memref_slice %arg3[%add3A, %dma_start3A, %dma_start3A_13] : memref<32x100x100xi32, #tpu.memory_space<hbm>> -> memref<1x100x100xi32, #tpu.memory_space<hbm>>
      %dma_start3A_15 = tpu.memref_squeeze %dma_start3A_14 : memref<1x100x100xi32, #tpu.memory_space<hbm>> -> memref<100x100xi32, #tpu.memory_space<hbm>>
      %dma_start3A_16 = arith.constant 0 : i32
      %dma_start3A_17 = arith.constant 0 : i32
      %dma_start3A_18 = tpu.memref_slice %arg3[%add3A, %dma_start3A_16, %dma_start3A_17] : memref<32x100x100xi32, #tpu.memory_space<hbm>> -> memref<1x100x100xi32, #tpu.memory_space<hbm>>
      %dma_start3A_19 = tpu.memref_squeeze %dma_start3A_18 : memref<1x100x100xi32, #tpu.memory_space<hbm>> -> memref<100x100xi32, #tpu.memory_space<hbm>>
      tpu.enqueue_dma source(%dma_start3A_19 : memref<100x100xi32, #tpu.memory_space<hbm>>) target(%arg7 : memref<100x100xi32, #tpu.memory_space<vmem>>) target_semaphore(%run_scoped3A : memref<!tpu.dma_semaphore, #tpu.memory_space<semaphore_mem>>)
      %dma_wait3A = arith.constant 0 : i32
      %dma_wait3A_20 = arith.constant 0 : i32
      %dma_wait3A_21 = tpu.memref_slice %arg3[%add3A, %dma_wait3A, %dma_wait3A_20] : memref<32x100x100xi32, #tpu.memory_space<hbm>> -> memref<1x100x100xi32, #tpu.memory_space<hbm>>
      %dma_wait3A_22 = tpu.memref_squeeze %dma_wait3A_21 : memref<1x100x100xi32, #tpu.memory_space<hbm>> -> memref<100x100xi32, #tpu.memory_space<hbm>>
      %dma_wait3A_23 = arith.constant 0 : i32
      %dma_wait3A_24 = arith.constant 0 : i32
      %dma_wait3A_25 = tpu.memref_slice %arg3[%add3A, %dma_wait3A_23, %dma_wait3A_24] : memref<32x100x100xi32, #tpu.memory_space<hbm>> -> memref<1x100x100xi32, #tpu.memory_space<hbm>>
      %dma_wait3A_26 = tpu.memref_squeeze %dma_wait3A_25 : memref<1x100x100xi32, #tpu.memory_space<hbm>> -> memref<100x100xi32, #tpu.memory_space<hbm>>
      tpu.wait_dma2 semaphore(%run_scoped3A : memref<!tpu.dma_semaphore, #tpu.memory_space<semaphore_mem>>) src(%dma_wait3A_26 : memref<100x100xi32, #tpu.memory_space<hbm>>) dst(%arg7 : memref<100x100xi32, #tpu.memory_space<vmem>>)
      tpu.yield
    }) : () -> ()
    "tpu.region"() ({
      %run_scoped3A = tpu.sem_alloc : memref<!tpu.dma_semaphore, #tpu.memory_space<semaphore_mem>>
      %dma_start3A = arith.constant 0 : i32
      %dma_start3A_13 = arith.constant 0 : i32
      %dma_start3A_14 = tpu.memref_slice %arg4[%add3A, %dma_start3A, %dma_start3A_13] : memref<32x100x100xi32, #tpu.memory_space<hbm>> -> memref<1x100x100xi32, #tpu.memory_space<hbm>>
      %dma_start3A_15 = tpu.memref_squeeze %dma_start3A_14 : memref<1x100x100xi32, #tpu.memory_space<hbm>> -> memref<100x100xi32, #tpu.memory_space<hbm>>
      %dma_start3A_16 = arith.constant 0 : i32
      %dma_start3A_17 = arith.constant 0 : i32
      %dma_start3A_18 = tpu.memref_slice %arg4[%add3A, %dma_start3A_16, %dma_start3A_17] : memref<32x100x100xi32, #tpu.memory_space<hbm>> -> memref<1x100x100xi32, #tpu.memory_space<hbm>>
      %dma_start3A_19 = tpu.memref_squeeze %dma_start3A_18 : memref<1x100x100xi32, #tpu.memory_space<hbm>> -> memref<100x100xi32, #tpu.memory_space<hbm>>
      tpu.enqueue_dma source(%dma_start3A_19 : memref<100x100xi32, #tpu.memory_space<hbm>>) target(%arg8 : memref<100x100xi32, #tpu.memory_space<vmem>>) target_semaphore(%run_scoped3A : memref<!tpu.dma_semaphore, #tpu.memory_space<semaphore_mem>>)
      %dma_wait3A = arith.constant 0 : i32
      %dma_wait3A_20 = arith.constant 0 : i32
      %dma_wait3A_21 = tpu.memref_slice %arg4[%add3A, %dma_wait3A, %dma_wait3A_20] : memref<32x100x100xi32, #tpu.memory_space<hbm>> -> memref<1x100x100xi32, #tpu.memory_space<hbm>>
      %dma_wait3A_22 = tpu.memref_squeeze %dma_wait3A_21 : memref<1x100x100xi32, #tpu.memory_space<hbm>> -> memref<100x100xi32, #tpu.memory_space<hbm>>
      %dma_wait3A_23 = arith.constant 0 : i32
      %dma_wait3A_24 = arith.constant 0 : i32
      %dma_wait3A_25 = tpu.memref_slice %arg4[%add3A, %dma_wait3A_23, %dma_wait3A_24] : memref<32x100x100xi32, #tpu.memory_space<hbm>> -> memref<1x100x100xi32, #tpu.memory_space<hbm>>
      %dma_wait3A_26 = tpu.memref_squeeze %dma_wait3A_25 : memref<1x100x100xi32, #tpu.memory_space<hbm>> -> memref<100x100xi32, #tpu.memory_space<hbm>>
      tpu.wait_dma2 semaphore(%run_scoped3A : memref<!tpu.dma_semaphore, #tpu.memory_space<semaphore_mem>>) src(%dma_wait3A_26 : memref<100x100xi32, #tpu.memory_space<hbm>>) dst(%arg8 : memref<100x100xi32, #tpu.memory_space<vmem>>)
      tpu.yield
    }) : () -> ()
    %mul3A_1 = arith.constant 640 : i32
    %mul3A_2 = arith.muli %arg1, %mul3A_1 : i32
    "tpu.region"() ({
      %run_scoped3A = tpu.sem_alloc : memref<!tpu.dma_semaphore, #tpu.memory_space<semaphore_mem>>
      %dma_start3A = arith.constant 0 : i32
      %dma_start3A_13 = tpu.memref_slice %arg10[%mul3A_2, %dma_start3A] : memref<10240x128xf32, #tpu.memory_space<vmem_shared>> -> memref<640x128xf32, #tpu.memory_space<vmem_shared>>
      tpu.enqueue_dma source(%arg5 : memref<640x128xf32, #tpu.memory_space<hbm>>) target(%dma_start3A_13 : memref<640x128xf32, #tpu.memory_space<vmem_shared>>) target_semaphore(%run_scoped3A : memref<!tpu.dma_semaphore, #tpu.memory_space<semaphore_mem>>)
      %dma_wait3A = arith.constant 0 : i32
      %dma_wait3A_14 = tpu.memref_slice %arg10[%mul3A_2, %dma_wait3A] : memref<10240x128xf32, #tpu.memory_space<vmem_shared>> -> memref<640x128xf32, #tpu.memory_space<vmem_shared>>
      tpu.wait_dma2 semaphore(%run_scoped3A : memref<!tpu.dma_semaphore, #tpu.memory_space<semaphore_mem>>) src(%arg5 : memref<640x128xf32, #tpu.memory_space<hbm>>) dst(%dma_wait3A_14 : memref<640x128xf32, #tpu.memory_space<vmem_shared>>)
      tpu.yield
    }) : () -> ()
    %barrier3A = arith.constant 0 : index
    tpu.barrier barrier_id(%barrier3A)
    %scan3A = arith.constant 0 : i32
    %scan3A_3 = arith.constant 0 : i32
    %scan3A_4 = arith.constant 100 : i32
    %scan3A_5 = arith.addi %scan3A_3, %scan3A_4 : i32
    %scan3A_6 = arith.constant 1 : i32
    scf.for %scan3A_13 = %scan3A_3 to %scan3A_5 step %scan3A_6  : i32 {
      %dma_start3A = arith.constant 0 : i32
      %dma_start3A_14 = tpu.memref_slice %arg7[%scan3A_13, %dma_start3A] : memref<100x100xi32, #tpu.memory_space<vmem>> -> memref<1x100xi32, #tpu.memory_space<vmem>>
      %dma_start3A_15 = tpu.memref_squeeze %dma_start3A_14 : memref<1x100xi32, #tpu.memory_space<vmem>> -> memref<100xi32, #tpu.memory_space<vmem>>
      %dma_start3A_16 = arith.constant 0 : i32
      %dma_start3A_17 = arith.constant 0 : i32
      %dma_start3A_18 = tpu.memref_slice %arg2[%dma_start3A_16, %dma_start3A_17] : memref<10240x128xf32, #tpu.memory_space<hbm>> -> memref<10240x128xf32, #tpu.memory_space<hbm>>
      tpu.enqueue_indirect_dma source(%dma_start3A_18 : memref<10240x128xf32, #tpu.memory_space<hbm>>) target(%arg9 : memref<100x128xf32, #tpu.memory_space<vmem>>) offsets(%dma_start3A_15 : memref<100xi32, #tpu.memory_space<vmem>>) semaphore(%arg11 : memref<!tpu.dma_semaphore, #tpu.memory_space<semaphore_mem>>)
      %dma_wait3A = arith.constant 0 : i32
      %dma_wait3A_19 = tpu.memref_slice %arg7[%scan3A_13, %dma_wait3A] : memref<100x100xi32, #tpu.memory_space<vmem>> -> memref<1x100xi32, #tpu.memory_space<vmem>>
      %dma_wait3A_20 = tpu.memref_squeeze %dma_wait3A_19 : memref<1x100xi32, #tpu.memory_space<vmem>> -> memref<100xi32, #tpu.memory_space<vmem>>
      %dma_wait3A_21 = arith.constant 0 : i32
      %dma_wait3A_22 = arith.constant 0 : i32
      %dma_wait3A_23 = tpu.memref_slice %arg2[%dma_wait3A_21, %dma_wait3A_22] : memref<10240x128xf32, #tpu.memory_space<hbm>> -> memref<10240x128xf32, #tpu.memory_space<hbm>>
      tpu.wait_indirect_dma semaphore(%arg11 : memref<!tpu.dma_semaphore, #tpu.memory_space<semaphore_mem>>) src(%dma_wait3A_23 : memref<10240x128xf32, #tpu.memory_space<hbm>>) dst(%arg9 : memref<100x128xf32, #tpu.memory_space<vmem>>)
      "tpu.region"() ({
        %run_scoped3A = tpu.sem_alloc : memref<!tpu.dma_semaphore, #tpu.memory_space<semaphore_mem>>
        %dma_start3A_24 = arith.constant 0 : i32
        %dma_start3A_25 = tpu.memref_slice %arg8[%scan3A_13, %dma_start3A_24] : memref<100x100xi32, #tpu.memory_space<vmem>> -> memref<1x100xi32, #tpu.memory_space<vmem>>
        %dma_start3A_26 = tpu.memref_squeeze %dma_start3A_25 : memref<1x100xi32, #tpu.memory_space<vmem>> -> memref<100xi32, #tpu.memory_space<vmem>>
        %dma_start3A_27 = arith.constant 0 : i32
        %dma_start3A_28 = arith.constant 0 : i32
        %dma_start3A_29 = tpu.memref_slice %arg10[%dma_start3A_27, %dma_start3A_28] : memref<10240x128xf32, #tpu.memory_space<vmem_shared>> -> memref<10240x128xf32, #tpu.memory_space<vmem_shared>>
        tpu.enqueue_indirect_dma source(%arg9 : memref<100x128xf32, #tpu.memory_space<vmem>>) target(%dma_start3A_29 : memref<10240x128xf32, #tpu.memory_space<vmem_shared>>) offsets(%dma_start3A_26 : memref<100xi32, #tpu.memory_space<vmem>>) semaphore(%run_scoped3A : memref<!tpu.dma_semaphore, #tpu.memory_space<semaphore_mem>>) {add = true}
        %dma_wait3A_30 = arith.constant 0 : i32
        %dma_wait3A_31 = tpu.memref_slice %arg8[%scan3A_13, %dma_wait3A_30] : memref<100x100xi32, #tpu.memory_space<vmem>> -> memref<1x100xi32, #tpu.memory_space<vmem>>
        %dma_wait3A_32 = tpu.memref_squeeze %dma_wait3A_31 : memref<1x100xi32, #tpu.memory_space<vmem>> -> memref<100xi32, #tpu.memory_space<vmem>>
        %dma_wait3A_33 = arith.constant 0 : i32
        %dma_wait3A_34 = arith.constant 0 : i32
        %dma_wait3A_35 = tpu.memref_slice %arg10[%dma_wait3A_33, %dma_wait3A_34] : memref<10240x128xf32, #tpu.memory_space<vmem_shared>> -> memref<10240x128xf32, #tpu.memory_space<vmem_shared>>
        tpu.wait_indirect_dma semaphore(%run_scoped3A : memref<!tpu.dma_semaphore, #tpu.memory_space<semaphore_mem>>) src(%arg9 : memref<100x128xf32, #tpu.memory_space<vmem>>) dst(%dma_wait3A_35 : memref<10240x128xf32, #tpu.memory_space<vmem_shared>>)
        tpu.yield
      }) : () -> ()
    }
    %scan3A_7 = arith.constant 100 : i32
    %barrier3A_8 = arith.constant 0 : index
    tpu.barrier barrier_id(%barrier3A_8)
    %mul3A_9 = arith.constant 640 : i32
    %mul3A_10 = arith.muli %arg1, %mul3A_9 : i32
    %mul3A_11 = arith.constant 640 : i32
    %mul3A_12 = arith.muli %arg1, %mul3A_11 : i32
    "tpu.region"() ({
      %run_scoped3A = tpu.sem_alloc : memref<!tpu.dma_semaphore, #tpu.memory_space<semaphore_mem>>
      %dma_start3A = arith.constant 0 : i32
      %dma_start3A_13 = tpu.memref_slice %arg6[%arg0, %mul3A_12, %dma_start3A] : memref<2x10240x128xf32, #tpu.memory_space<hbm>> -> memref<1x640x128xf32, #tpu.memory_space<hbm>>
      %dma_start3A_14 = tpu.memref_squeeze %dma_start3A_13 : memref<1x640x128xf32, #tpu.memory_space<hbm>> -> memref<640x128xf32, #tpu.memory_space<hbm>>
      %dma_start3A_15 = arith.constant 0 : i32
      %dma_start3A_16 = tpu.memref_slice %arg10[%mul3A_10, %dma_start3A_15] : memref<10240x128xf32, #tpu.memory_space<vmem_shared>> -> memref<640x128xf32, #tpu.memory_space<vmem_shared>>
      tpu.enqueue_dma source(%dma_start3A_16 : memref<640x128xf32, #tpu.memory_space<vmem_shared>>) target(%dma_start3A_14 : memref<640x128xf32, #tpu.memory_space<hbm>>) target_semaphore(%run_scoped3A : memref<!tpu.dma_semaphore, #tpu.memory_space<semaphore_mem>>)
      %dma_wait3A = arith.constant 0 : i32
      %dma_wait3A_17 = tpu.memref_slice %arg6[%arg0, %mul3A_12, %dma_wait3A] : memref<2x10240x128xf32, #tpu.memory_space<hbm>> -> memref<1x640x128xf32, #tpu.memory_space<hbm>>
      %dma_wait3A_18 = tpu.memref_squeeze %dma_wait3A_17 : memref<1x640x128xf32, #tpu.memory_space<hbm>> -> memref<640x128xf32, #tpu.memory_space<hbm>>
      %dma_wait3A_19 = arith.constant 0 : i32
      %dma_wait3A_20 = tpu.memref_slice %arg10[%mul3A_10, %dma_wait3A_19] : memref<10240x128xf32, #tpu.memory_space<vmem_shared>> -> memref<640x128xf32, #tpu.memory_space<vmem_shared>>
      tpu.wait_dma2 semaphore(%run_scoped3A : memref<!tpu.dma_semaphore, #tpu.memory_space<semaphore_mem>>) src(%dma_wait3A_20 : memref<640x128xf32, #tpu.memory_space<vmem_shared>>) dst(%dma_wait3A_18 : memref<640x128xf32, #tpu.memory_space<hbm>>)
      tpu.yield
    }) : () -> ()
    return
  }
}

#map = affine_map<(d0, d1) -> (0, 0, 0)>
#map1 = affine_map<(d0, d1) -> (0, 0)>
module attributes {stable_mosaic.version = 14 : i64} {
  func.func @_deg(%arg0: i32, %arg1: i32, %arg2: memref<32x100x100xi32, #tpu.memory_space<hbm>>, %arg3: memref<100x128xf32, #tpu.memory_space<hbm>>, %arg4: memref<640x128xf32, #tpu.memory_space<hbm>>, %arg5: memref<2x10240x128xf32, #tpu.memory_space<hbm>>, %arg6: memref<100x100xi32, #tpu.memory_space<vmem>>, %arg7: memref<100x128xf32, #tpu.memory_space<vmem>>, %arg8: memref<10240x128xf32, #tpu.memory_space<vmem_shared>>) attributes {dimension_semantics = [#tpu.dimension_semantics<core_parallel>, #tpu.dimension_semantics<subcore_parallel>], iteration_bounds = array<i64: 2, 16>, scalar_prefetch = 0 : i64, scratch_operands = 3 : i64, tpu.core_type = #tpu.core_type<sc_vector_subcore>, window_params = [{transform_indices = #map}, {transform_indices = #map1}, {transform_indices = #map1}, {transform_indices = #map}]} {
    %mul3A = arith.constant 2 : i32
    %mul3A_0 = arith.muli %arg1, %mul3A : i32
    %add3A = arith.addi %mul3A_0, %arg0 : i32
    %mul3A_1 = arith.constant 640 : i32
    %mul3A_2 = arith.muli %arg1, %mul3A_1 : i32
    "tpu.region"() ({
      %run_scoped3A = tpu.sem_alloc : memref<!tpu.dma_semaphore, #tpu.memory_space<semaphore_mem>>
      %dma_start3A = arith.constant 0 : i32
      %dma_start3A_13 = tpu.memref_slice %arg8[%mul3A_2, %dma_start3A] : memref<10240x128xf32, #tpu.memory_space<vmem_shared>> -> memref<640x128xf32, #tpu.memory_space<vmem_shared>>
      tpu.enqueue_dma source(%arg4 : memref<640x128xf32, #tpu.memory_space<hbm>>) target(%dma_start3A_13 : memref<640x128xf32, #tpu.memory_space<vmem_shared>>) target_semaphore(%run_scoped3A : memref<!tpu.dma_semaphore, #tpu.memory_space<semaphore_mem>>)
      %dma_wait3A = arith.constant 0 : i32
      %dma_wait3A_14 = tpu.memref_slice %arg8[%mul3A_2, %dma_wait3A] : memref<10240x128xf32, #tpu.memory_space<vmem_shared>> -> memref<640x128xf32, #tpu.memory_space<vmem_shared>>
      tpu.wait_dma2 semaphore(%run_scoped3A : memref<!tpu.dma_semaphore, #tpu.memory_space<semaphore_mem>>) src(%arg4 : memref<640x128xf32, #tpu.memory_space<hbm>>) dst(%dma_wait3A_14 : memref<640x128xf32, #tpu.memory_space<vmem_shared>>)
      tpu.yield
    }) : () -> ()
    "tpu.region"() ({
      %run_scoped3A = tpu.sem_alloc : memref<!tpu.dma_semaphore, #tpu.memory_space<semaphore_mem>>
      %dma_start3A = arith.constant 0 : i32
      %dma_start3A_13 = arith.constant 0 : i32
      %dma_start3A_14 = tpu.memref_slice %arg2[%add3A, %dma_start3A, %dma_start3A_13] : memref<32x100x100xi32, #tpu.memory_space<hbm>> -> memref<1x100x100xi32, #tpu.memory_space<hbm>>
      %dma_start3A_15 = tpu.memref_squeeze %dma_start3A_14 : memref<1x100x100xi32, #tpu.memory_space<hbm>> -> memref<100x100xi32, #tpu.memory_space<hbm>>
      %dma_start3A_16 = arith.constant 0 : i32
      %dma_start3A_17 = arith.constant 0 : i32
      %dma_start3A_18 = tpu.memref_slice %arg2[%add3A, %dma_start3A_16, %dma_start3A_17] : memref<32x100x100xi32, #tpu.memory_space<hbm>> -> memref<1x100x100xi32, #tpu.memory_space<hbm>>
      %dma_start3A_19 = tpu.memref_squeeze %dma_start3A_18 : memref<1x100x100xi32, #tpu.memory_space<hbm>> -> memref<100x100xi32, #tpu.memory_space<hbm>>
      tpu.enqueue_dma source(%dma_start3A_19 : memref<100x100xi32, #tpu.memory_space<hbm>>) target(%arg6 : memref<100x100xi32, #tpu.memory_space<vmem>>) target_semaphore(%run_scoped3A : memref<!tpu.dma_semaphore, #tpu.memory_space<semaphore_mem>>)
      %dma_wait3A = arith.constant 0 : i32
      %dma_wait3A_20 = arith.constant 0 : i32
      %dma_wait3A_21 = tpu.memref_slice %arg2[%add3A, %dma_wait3A, %dma_wait3A_20] : memref<32x100x100xi32, #tpu.memory_space<hbm>> -> memref<1x100x100xi32, #tpu.memory_space<hbm>>
      %dma_wait3A_22 = tpu.memref_squeeze %dma_wait3A_21 : memref<1x100x100xi32, #tpu.memory_space<hbm>> -> memref<100x100xi32, #tpu.memory_space<hbm>>
      %dma_wait3A_23 = arith.constant 0 : i32
      %dma_wait3A_24 = arith.constant 0 : i32
      %dma_wait3A_25 = tpu.memref_slice %arg2[%add3A, %dma_wait3A_23, %dma_wait3A_24] : memref<32x100x100xi32, #tpu.memory_space<hbm>> -> memref<1x100x100xi32, #tpu.memory_space<hbm>>
      %dma_wait3A_26 = tpu.memref_squeeze %dma_wait3A_25 : memref<1x100x100xi32, #tpu.memory_space<hbm>> -> memref<100x100xi32, #tpu.memory_space<hbm>>
      tpu.wait_dma2 semaphore(%run_scoped3A : memref<!tpu.dma_semaphore, #tpu.memory_space<semaphore_mem>>) src(%dma_wait3A_26 : memref<100x100xi32, #tpu.memory_space<hbm>>) dst(%arg6 : memref<100x100xi32, #tpu.memory_space<vmem>>)
      tpu.yield
    }) : () -> ()
    "tpu.region"() ({
      %run_scoped3A = tpu.sem_alloc : memref<!tpu.dma_semaphore, #tpu.memory_space<semaphore_mem>>
      tpu.enqueue_dma source(%arg3 : memref<100x128xf32, #tpu.memory_space<hbm>>) target(%arg7 : memref<100x128xf32, #tpu.memory_space<vmem>>) target_semaphore(%run_scoped3A : memref<!tpu.dma_semaphore, #tpu.memory_space<semaphore_mem>>)
      tpu.wait_dma2 semaphore(%run_scoped3A : memref<!tpu.dma_semaphore, #tpu.memory_space<semaphore_mem>>) src(%arg3 : memref<100x128xf32, #tpu.memory_space<hbm>>) dst(%arg7 : memref<100x128xf32, #tpu.memory_space<vmem>>)
      tpu.yield
    }) : () -> ()
    %barrier3A = arith.constant 0 : index
    tpu.barrier barrier_id(%barrier3A)
    %scan3A = arith.constant 0 : i32
    %scan3A_3 = arith.constant 0 : i32
    %scan3A_4 = arith.constant 100 : i32
    %scan3A_5 = arith.addi %scan3A_3, %scan3A_4 : i32
    %scan3A_6 = arith.constant 1 : i32
    scf.for %scan3A_13 = %scan3A_3 to %scan3A_5 step %scan3A_6  : i32 {
      "tpu.region"() ({
        %run_scoped3A = tpu.sem_alloc : memref<!tpu.dma_semaphore, #tpu.memory_space<semaphore_mem>>
        %dma_start3A = arith.constant 0 : i32
        %dma_start3A_14 = tpu.memref_slice %arg6[%scan3A_13, %dma_start3A] : memref<100x100xi32, #tpu.memory_space<vmem>> -> memref<1x100xi32, #tpu.memory_space<vmem>>
        %dma_start3A_15 = tpu.memref_squeeze %dma_start3A_14 : memref<1x100xi32, #tpu.memory_space<vmem>> -> memref<100xi32, #tpu.memory_space<vmem>>
        %dma_start3A_16 = arith.constant 0 : i32
        %dma_start3A_17 = arith.constant 0 : i32
        %dma_start3A_18 = tpu.memref_slice %arg8[%dma_start3A_16, %dma_start3A_17] : memref<10240x128xf32, #tpu.memory_space<vmem_shared>> -> memref<10240x128xf32, #tpu.memory_space<vmem_shared>>
        tpu.enqueue_indirect_dma source(%arg7 : memref<100x128xf32, #tpu.memory_space<vmem>>) target(%dma_start3A_18 : memref<10240x128xf32, #tpu.memory_space<vmem_shared>>) offsets(%dma_start3A_15 : memref<100xi32, #tpu.memory_space<vmem>>) semaphore(%run_scoped3A : memref<!tpu.dma_semaphore, #tpu.memory_space<semaphore_mem>>) {add = true}
        %dma_wait3A = arith.constant 0 : i32
        %dma_wait3A_19 = tpu.memref_slice %arg6[%scan3A_13, %dma_wait3A] : memref<100x100xi32, #tpu.memory_space<vmem>> -> memref<1x100xi32, #tpu.memory_space<vmem>>
        %dma_wait3A_20 = tpu.memref_squeeze %dma_wait3A_19 : memref<1x100xi32, #tpu.memory_space<vmem>> -> memref<100xi32, #tpu.memory_space<vmem>>
        %dma_wait3A_21 = arith.constant 0 : i32
        %dma_wait3A_22 = arith.constant 0 : i32
        %dma_wait3A_23 = tpu.memref_slice %arg8[%dma_wait3A_21, %dma_wait3A_22] : memref<10240x128xf32, #tpu.memory_space<vmem_shared>> -> memref<10240x128xf32, #tpu.memory_space<vmem_shared>>
        tpu.wait_indirect_dma semaphore(%run_scoped3A : memref<!tpu.dma_semaphore, #tpu.memory_space<semaphore_mem>>) src(%arg7 : memref<100x128xf32, #tpu.memory_space<vmem>>) dst(%dma_wait3A_23 : memref<10240x128xf32, #tpu.memory_space<vmem_shared>>)
        tpu.yield
      }) : () -> ()
    }
    %scan3A_7 = arith.constant 100 : i32
    %barrier3A_8 = arith.constant 0 : index
    tpu.barrier barrier_id(%barrier3A_8)
    %mul3A_9 = arith.constant 640 : i32
    %mul3A_10 = arith.muli %arg1, %mul3A_9 : i32
    %mul3A_11 = arith.constant 640 : i32
    %mul3A_12 = arith.muli %arg1, %mul3A_11 : i32
    "tpu.region"() ({
      %run_scoped3A = tpu.sem_alloc : memref<!tpu.dma_semaphore, #tpu.memory_space<semaphore_mem>>
      %dma_start3A = arith.constant 0 : i32
      %dma_start3A_13 = tpu.memref_slice %arg5[%arg0, %mul3A_12, %dma_start3A] : memref<2x10240x128xf32, #tpu.memory_space<hbm>> -> memref<1x640x128xf32, #tpu.memory_space<hbm>>
      %dma_start3A_14 = tpu.memref_squeeze %dma_start3A_13 : memref<1x640x128xf32, #tpu.memory_space<hbm>> -> memref<640x128xf32, #tpu.memory_space<hbm>>
      %dma_start3A_15 = arith.constant 0 : i32
      %dma_start3A_16 = tpu.memref_slice %arg8[%mul3A_10, %dma_start3A_15] : memref<10240x128xf32, #tpu.memory_space<vmem_shared>> -> memref<640x128xf32, #tpu.memory_space<vmem_shared>>
      tpu.enqueue_dma source(%dma_start3A_16 : memref<640x128xf32, #tpu.memory_space<vmem_shared>>) target(%dma_start3A_14 : memref<640x128xf32, #tpu.memory_space<hbm>>) target_semaphore(%run_scoped3A : memref<!tpu.dma_semaphore, #tpu.memory_space<semaphore_mem>>)
      %dma_wait3A = arith.constant 0 : i32
      %dma_wait3A_17 = tpu.memref_slice %arg5[%arg0, %mul3A_12, %dma_wait3A] : memref<2x10240x128xf32, #tpu.memory_space<hbm>> -> memref<1x640x128xf32, #tpu.memory_space<hbm>>
      %dma_wait3A_18 = tpu.memref_squeeze %dma_wait3A_17 : memref<1x640x128xf32, #tpu.memory_space<hbm>> -> memref<640x128xf32, #tpu.memory_space<hbm>>
      %dma_wait3A_19 = arith.constant 0 : i32
      %dma_wait3A_20 = tpu.memref_slice %arg8[%mul3A_10, %dma_wait3A_19] : memref<10240x128xf32, #tpu.memory_space<vmem_shared>> -> memref<640x128xf32, #tpu.memory_space<vmem_shared>>
      tpu.wait_dma2 semaphore(%run_scoped3A : memref<!tpu.dma_semaphore, #tpu.memory_space<semaphore_mem>>) src(%dma_wait3A_20 : memref<640x128xf32, #tpu.memory_space<vmem_shared>>) dst(%dma_wait3A_18 : memref<640x128xf32, #tpu.memory_space<hbm>>)
      tpu.yield
    }) : () -> ()
    return
  }
}

#map = affine_map<(d0, d1) -> (0, 0)>
#map1 = affine_map<(d0, d1) -> (0, 0, 0)>
module attributes {stable_mosaic.version = 14 : i64} {
  func.func @_agg(%arg0: i32, %arg1: i32, %arg2: memref<10240x128xf32, #tpu.memory_space<hbm>>, %arg3: memref<32x100x100xi32, #tpu.memory_space<hbm>>, %arg4: memref<32x100x100xi32, #tpu.memory_space<hbm>>, %arg5: memref<640x128xf32, #tpu.memory_space<hbm>>, %arg6: memref<2x10240x128xf32, #tpu.memory_space<hbm>>, %arg7: memref<100x100xi32, #tpu.memory_space<vmem>>, %arg8: memref<100x100xi32, #tpu.memory_space<vmem>>, %arg9: memref<100x128xf32, #tpu.memory_space<vmem>>, %arg10: memref<10240x128xf32, #tpu.memory_space<vmem_shared>>, %arg11: memref<!tpu.dma_semaphore, #tpu.memory_space<semaphore_mem>>) attributes {dimension_semantics = [#tpu.dimension_semantics<core_parallel>, #tpu.dimension_semantics<subcore_parallel>], iteration_bounds = array<i64: 2, 16>, scalar_prefetch = 0 : i64, scratch_operands = 5 : i64, tpu.core_type = #tpu.core_type<sc_vector_subcore>, window_params = [{transform_indices = #map}, {transform_indices = #map1}, {transform_indices = #map1}, {transform_indices = #map}, {transform_indices = #map1}]} {
    %mul3A = arith.constant 2 : i32
    %mul3A_0 = arith.muli %arg1, %mul3A : i32
    %add3A = arith.addi %mul3A_0, %arg0 : i32
    "tpu.region"() ({
      %run_scoped3A = tpu.sem_alloc : memref<!tpu.dma_semaphore, #tpu.memory_space<semaphore_mem>>
      %dma_start3A = arith.constant 0 : i32
      %dma_start3A_13 = arith.constant 0 : i32
      %dma_start3A_14 = tpu.memref_slice %arg3[%add3A, %dma_start3A, %dma_start3A_13] : memref<32x100x100xi32, #tpu.memory_space<hbm>> -> memref<1x100x100xi32, #tpu.memory_space<hbm>>
      %dma_start3A_15 = tpu.memref_squeeze %dma_start3A_14 : memref<1x100x100xi32, #tpu.memory_space<hbm>> -> memref<100x100xi32, #tpu.memory_space<hbm>>
      %dma_start3A_16 = arith.constant 0 : i32
      %dma_start3A_17 = arith.constant 0 : i32
      %dma_start3A_18 = tpu.memref_slice %arg3[%add3A, %dma_start3A_16, %dma_start3A_17] : memref<32x100x100xi32, #tpu.memory_space<hbm>> -> memref<1x100x100xi32, #tpu.memory_space<hbm>>
      %dma_start3A_19 = tpu.memref_squeeze %dma_start3A_18 : memref<1x100x100xi32, #tpu.memory_space<hbm>> -> memref<100x100xi32, #tpu.memory_space<hbm>>
      tpu.enqueue_dma source(%dma_start3A_19 : memref<100x100xi32, #tpu.memory_space<hbm>>) target(%arg7 : memref<100x100xi32, #tpu.memory_space<vmem>>) target_semaphore(%run_scoped3A : memref<!tpu.dma_semaphore, #tpu.memory_space<semaphore_mem>>)
      %dma_wait3A = arith.constant 0 : i32
      %dma_wait3A_20 = arith.constant 0 : i32
      %dma_wait3A_21 = tpu.memref_slice %arg3[%add3A, %dma_wait3A, %dma_wait3A_20] : memref<32x100x100xi32, #tpu.memory_space<hbm>> -> memref<1x100x100xi32, #tpu.memory_space<hbm>>
      %dma_wait3A_22 = tpu.memref_squeeze %dma_wait3A_21 : memref<1x100x100xi32, #tpu.memory_space<hbm>> -> memref<100x100xi32, #tpu.memory_space<hbm>>
      %dma_wait3A_23 = arith.constant 0 : i32
      %dma_wait3A_24 = arith.constant 0 : i32
      %dma_wait3A_25 = tpu.memref_slice %arg3[%add3A, %dma_wait3A_23, %dma_wait3A_24] : memref<32x100x100xi32, #tpu.memory_space<hbm>> -> memref<1x100x100xi32, #tpu.memory_space<hbm>>
      %dma_wait3A_26 = tpu.memref_squeeze %dma_wait3A_25 : memref<1x100x100xi32, #tpu.memory_space<hbm>> -> memref<100x100xi32, #tpu.memory_space<hbm>>
      tpu.wait_dma2 semaphore(%run_scoped3A : memref<!tpu.dma_semaphore, #tpu.memory_space<semaphore_mem>>) src(%dma_wait3A_26 : memref<100x100xi32, #tpu.memory_space<hbm>>) dst(%arg7 : memref<100x100xi32, #tpu.memory_space<vmem>>)
      tpu.yield
    }) : () -> ()
    "tpu.region"() ({
      %run_scoped3A = tpu.sem_alloc : memref<!tpu.dma_semaphore, #tpu.memory_space<semaphore_mem>>
      %dma_start3A = arith.constant 0 : i32
      %dma_start3A_13 = arith.constant 0 : i32
      %dma_start3A_14 = tpu.memref_slice %arg4[%add3A, %dma_start3A, %dma_start3A_13] : memref<32x100x100xi32, #tpu.memory_space<hbm>> -> memref<1x100x100xi32, #tpu.memory_space<hbm>>
      %dma_start3A_15 = tpu.memref_squeeze %dma_start3A_14 : memref<1x100x100xi32, #tpu.memory_space<hbm>> -> memref<100x100xi32, #tpu.memory_space<hbm>>
      %dma_start3A_16 = arith.constant 0 : i32
      %dma_start3A_17 = arith.constant 0 : i32
      %dma_start3A_18 = tpu.memref_slice %arg4[%add3A, %dma_start3A_16, %dma_start3A_17] : memref<32x100x100xi32, #tpu.memory_space<hbm>> -> memref<1x100x100xi32, #tpu.memory_space<hbm>>
      %dma_start3A_19 = tpu.memref_squeeze %dma_start3A_18 : memref<1x100x100xi32, #tpu.memory_space<hbm>> -> memref<100x100xi32, #tpu.memory_space<hbm>>
      tpu.enqueue_dma source(%dma_start3A_19 : memref<100x100xi32, #tpu.memory_space<hbm>>) target(%arg8 : memref<100x100xi32, #tpu.memory_space<vmem>>) target_semaphore(%run_scoped3A : memref<!tpu.dma_semaphore, #tpu.memory_space<semaphore_mem>>)
      %dma_wait3A = arith.constant 0 : i32
      %dma_wait3A_20 = arith.constant 0 : i32
      %dma_wait3A_21 = tpu.memref_slice %arg4[%add3A, %dma_wait3A, %dma_wait3A_20] : memref<32x100x100xi32, #tpu.memory_space<hbm>> -> memref<1x100x100xi32, #tpu.memory_space<hbm>>
      %dma_wait3A_22 = tpu.memref_squeeze %dma_wait3A_21 : memref<1x100x100xi32, #tpu.memory_space<hbm>> -> memref<100x100xi32, #tpu.memory_space<hbm>>
      %dma_wait3A_23 = arith.constant 0 : i32
      %dma_wait3A_24 = arith.constant 0 : i32
      %dma_wait3A_25 = tpu.memref_slice %arg4[%add3A, %dma_wait3A_23, %dma_wait3A_24] : memref<32x100x100xi32, #tpu.memory_space<hbm>> -> memref<1x100x100xi32, #tpu.memory_space<hbm>>
      %dma_wait3A_26 = tpu.memref_squeeze %dma_wait3A_25 : memref<1x100x100xi32, #tpu.memory_space<hbm>> -> memref<100x100xi32, #tpu.memory_space<hbm>>
      tpu.wait_dma2 semaphore(%run_scoped3A : memref<!tpu.dma_semaphore, #tpu.memory_space<semaphore_mem>>) src(%dma_wait3A_26 : memref<100x100xi32, #tpu.memory_space<hbm>>) dst(%arg8 : memref<100x100xi32, #tpu.memory_space<vmem>>)
      tpu.yield
    }) : () -> ()
    %mul3A_1 = arith.constant 640 : i32
    %mul3A_2 = arith.muli %arg1, %mul3A_1 : i32
    "tpu.region"() ({
      %run_scoped3A = tpu.sem_alloc : memref<!tpu.dma_semaphore, #tpu.memory_space<semaphore_mem>>
      %dma_start3A = arith.constant 0 : i32
      %dma_start3A_13 = tpu.memref_slice %arg10[%mul3A_2, %dma_start3A] : memref<10240x128xf32, #tpu.memory_space<vmem_shared>> -> memref<640x128xf32, #tpu.memory_space<vmem_shared>>
      tpu.enqueue_dma source(%arg5 : memref<640x128xf32, #tpu.memory_space<hbm>>) target(%dma_start3A_13 : memref<640x128xf32, #tpu.memory_space<vmem_shared>>) target_semaphore(%run_scoped3A : memref<!tpu.dma_semaphore, #tpu.memory_space<semaphore_mem>>)
      %dma_wait3A = arith.constant 0 : i32
      %dma_wait3A_14 = tpu.memref_slice %arg10[%mul3A_2, %dma_wait3A] : memref<10240x128xf32, #tpu.memory_space<vmem_shared>> -> memref<640x128xf32, #tpu.memory_space<vmem_shared>>
      tpu.wait_dma2 semaphore(%run_scoped3A : memref<!tpu.dma_semaphore, #tpu.memory_space<semaphore_mem>>) src(%arg5 : memref<640x128xf32, #tpu.memory_space<hbm>>) dst(%dma_wait3A_14 : memref<640x128xf32, #tpu.memory_space<vmem_shared>>)
      tpu.yield
    }) : () -> ()
    %barrier3A = arith.constant 0 : index
    tpu.barrier barrier_id(%barrier3A)
    %scan3A = arith.constant 0 : i32
    %scan3A_3 = arith.constant 0 : i32
    %scan3A_4 = arith.constant 100 : i32
    %scan3A_5 = arith.addi %scan3A_3, %scan3A_4 : i32
    %scan3A_6 = arith.constant 1 : i32
    scf.for %scan3A_13 = %scan3A_3 to %scan3A_5 step %scan3A_6  : i32 {
      %dma_start3A = arith.constant 0 : i32
      %dma_start3A_14 = tpu.memref_slice %arg7[%scan3A_13, %dma_start3A] : memref<100x100xi32, #tpu.memory_space<vmem>> -> memref<1x100xi32, #tpu.memory_space<vmem>>
      %dma_start3A_15 = tpu.memref_squeeze %dma_start3A_14 : memref<1x100xi32, #tpu.memory_space<vmem>> -> memref<100xi32, #tpu.memory_space<vmem>>
      %dma_start3A_16 = arith.constant 0 : i32
      %dma_start3A_17 = arith.constant 0 : i32
      %dma_start3A_18 = tpu.memref_slice %arg2[%dma_start3A_16, %dma_start3A_17] : memref<10240x128xf32, #tpu.memory_space<hbm>> -> memref<10240x128xf32, #tpu.memory_space<hbm>>
      tpu.enqueue_indirect_dma source(%dma_start3A_18 : memref<10240x128xf32, #tpu.memory_space<hbm>>) target(%arg9 : memref<100x128xf32, #tpu.memory_space<vmem>>) offsets(%dma_start3A_15 : memref<100xi32, #tpu.memory_space<vmem>>) semaphore(%arg11 : memref<!tpu.dma_semaphore, #tpu.memory_space<semaphore_mem>>)
      %dma_wait3A = arith.constant 0 : i32
      %dma_wait3A_19 = tpu.memref_slice %arg7[%scan3A_13, %dma_wait3A] : memref<100x100xi32, #tpu.memory_space<vmem>> -> memref<1x100xi32, #tpu.memory_space<vmem>>
      %dma_wait3A_20 = tpu.memref_squeeze %dma_wait3A_19 : memref<1x100xi32, #tpu.memory_space<vmem>> -> memref<100xi32, #tpu.memory_space<vmem>>
      %dma_wait3A_21 = arith.constant 0 : i32
      %dma_wait3A_22 = arith.constant 0 : i32
      %dma_wait3A_23 = tpu.memref_slice %arg2[%dma_wait3A_21, %dma_wait3A_22] : memref<10240x128xf32, #tpu.memory_space<hbm>> -> memref<10240x128xf32, #tpu.memory_space<hbm>>
      tpu.wait_indirect_dma semaphore(%arg11 : memref<!tpu.dma_semaphore, #tpu.memory_space<semaphore_mem>>) src(%dma_wait3A_23 : memref<10240x128xf32, #tpu.memory_space<hbm>>) dst(%arg9 : memref<100x128xf32, #tpu.memory_space<vmem>>)
      "tpu.region"() ({
        %run_scoped3A = tpu.sem_alloc : memref<!tpu.dma_semaphore, #tpu.memory_space<semaphore_mem>>
        %dma_start3A_24 = arith.constant 0 : i32
        %dma_start3A_25 = tpu.memref_slice %arg8[%scan3A_13, %dma_start3A_24] : memref<100x100xi32, #tpu.memory_space<vmem>> -> memref<1x100xi32, #tpu.memory_space<vmem>>
        %dma_start3A_26 = tpu.memref_squeeze %dma_start3A_25 : memref<1x100xi32, #tpu.memory_space<vmem>> -> memref<100xi32, #tpu.memory_space<vmem>>
        %dma_start3A_27 = arith.constant 0 : i32
        %dma_start3A_28 = arith.constant 0 : i32
        %dma_start3A_29 = tpu.memref_slice %arg10[%dma_start3A_27, %dma_start3A_28] : memref<10240x128xf32, #tpu.memory_space<vmem_shared>> -> memref<10240x128xf32, #tpu.memory_space<vmem_shared>>
        tpu.enqueue_indirect_dma source(%arg9 : memref<100x128xf32, #tpu.memory_space<vmem>>) target(%dma_start3A_29 : memref<10240x128xf32, #tpu.memory_space<vmem_shared>>) offsets(%dma_start3A_26 : memref<100xi32, #tpu.memory_space<vmem>>) semaphore(%run_scoped3A : memref<!tpu.dma_semaphore, #tpu.memory_space<semaphore_mem>>) {add = true}
        %dma_wait3A_30 = arith.constant 0 : i32
        %dma_wait3A_31 = tpu.memref_slice %arg8[%scan3A_13, %dma_wait3A_30] : memref<100x100xi32, #tpu.memory_space<vmem>> -> memref<1x100xi32, #tpu.memory_space<vmem>>
        %dma_wait3A_32 = tpu.memref_squeeze %dma_wait3A_31 : memref<1x100xi32, #tpu.memory_space<vmem>> -> memref<100xi32, #tpu.memory_space<vmem>>
        %dma_wait3A_33 = arith.constant 0 : i32
        %dma_wait3A_34 = arith.constant 0 : i32
        %dma_wait3A_35 = tpu.memref_slice %arg10[%dma_wait3A_33, %dma_wait3A_34] : memref<10240x128xf32, #tpu.memory_space<vmem_shared>> -> memref<10240x128xf32, #tpu.memory_space<vmem_shared>>
        tpu.wait_indirect_dma semaphore(%run_scoped3A : memref<!tpu.dma_semaphore, #tpu.memory_space<semaphore_mem>>) src(%arg9 : memref<100x128xf32, #tpu.memory_space<vmem>>) dst(%dma_wait3A_35 : memref<10240x128xf32, #tpu.memory_space<vmem_shared>>)
        tpu.yield
      }) : () -> ()
    }
    %scan3A_7 = arith.constant 100 : i32
    %barrier3A_8 = arith.constant 0 : index
    tpu.barrier barrier_id(%barrier3A_8)
    %mul3A_9 = arith.constant 640 : i32
    %mul3A_10 = arith.muli %arg1, %mul3A_9 : i32
    %mul3A_11 = arith.constant 640 : i32
    %mul3A_12 = arith.muli %arg1, %mul3A_11 : i32
    "tpu.region"() ({
      %run_scoped3A = tpu.sem_alloc : memref<!tpu.dma_semaphore, #tpu.memory_space<semaphore_mem>>
      %dma_start3A = arith.constant 0 : i32
      %dma_start3A_13 = tpu.memref_slice %arg6[%arg0, %mul3A_12, %dma_start3A] : memref<2x10240x128xf32, #tpu.memory_space<hbm>> -> memref<1x640x128xf32, #tpu.memory_space<hbm>>
      %dma_start3A_14 = tpu.memref_squeeze %dma_start3A_13 : memref<1x640x128xf32, #tpu.memory_space<hbm>> -> memref<640x128xf32, #tpu.memory_space<hbm>>
      %dma_start3A_15 = arith.constant 0 : i32
      %dma_start3A_16 = tpu.memref_slice %arg10[%mul3A_10, %dma_start3A_15] : memref<10240x128xf32, #tpu.memory_space<vmem_shared>> -> memref<640x128xf32, #tpu.memory_space<vmem_shared>>
      tpu.enqueue_dma source(%dma_start3A_16 : memref<640x128xf32, #tpu.memory_space<vmem_shared>>) target(%dma_start3A_14 : memref<640x128xf32, #tpu.memory_space<hbm>>) target_semaphore(%run_scoped3A : memref<!tpu.dma_semaphore, #tpu.memory_space<semaphore_mem>>)
      %dma_wait3A = arith.constant 0 : i32
      %dma_wait3A_17 = tpu.memref_slice %arg6[%arg0, %mul3A_12, %dma_wait3A] : memref<2x10240x128xf32, #tpu.memory_space<hbm>> -> memref<1x640x128xf32, #tpu.memory_space<hbm>>
      %dma_wait3A_18 = tpu.memref_squeeze %dma_wait3A_17 : memref<1x640x128xf32, #tpu.memory_space<hbm>> -> memref<640x128xf32, #tpu.memory_space<hbm>>
      %dma_wait3A_19 = arith.constant 0 : i32
      %dma_wait3A_20 = tpu.memref_slice %arg10[%mul3A_10, %dma_wait3A_19] : memref<10240x128xf32, #tpu.memory_space<vmem_shared>> -> memref<640x128xf32, #tpu.memory_space<vmem_shared>>
      tpu.wait_dma2 semaphore(%run_scoped3A : memref<!tpu.dma_semaphore, #tpu.memory_space<semaphore_mem>>) src(%dma_wait3A_20 : memref<640x128xf32, #tpu.memory_space<vmem_shared>>) dst(%dma_wait3A_18 : memref<640x128xf32, #tpu.memory_space<hbm>>)
      tpu.yield
    }) : () -> ()
    return
  }
}

#map = affine_map<(d0, d1) -> (0, 0)>
#map1 = affine_map<(d0, d1) -> (0, 0, 0)>
module attributes {stable_mosaic.version = 14 : i64} {
  func.func @_agg(%arg0: i32, %arg1: i32, %arg2: memref<10240x128xf32, #tpu.memory_space<hbm>>, %arg3: memref<32x100x100xi32, #tpu.memory_space<hbm>>, %arg4: memref<32x100x100xi32, #tpu.memory_space<hbm>>, %arg5: memref<640x128xf32, #tpu.memory_space<hbm>>, %arg6: memref<2x10240x128xf32, #tpu.memory_space<hbm>>, %arg7: memref<100x100xi32, #tpu.memory_space<vmem>>, %arg8: memref<100x100xi32, #tpu.memory_space<vmem>>, %arg9: memref<100x128xf32, #tpu.memory_space<vmem>>, %arg10: memref<10240x128xf32, #tpu.memory_space<vmem_shared>>, %arg11: memref<!tpu.dma_semaphore, #tpu.memory_space<semaphore_mem>>) attributes {dimension_semantics = [#tpu.dimension_semantics<core_parallel>, #tpu.dimension_semantics<subcore_parallel>], iteration_bounds = array<i64: 2, 16>, scalar_prefetch = 0 : i64, scratch_operands = 5 : i64, tpu.core_type = #tpu.core_type<sc_vector_subcore>, window_params = [{transform_indices = #map}, {transform_indices = #map1}, {transform_indices = #map1}, {transform_indices = #map}, {transform_indices = #map1}]} {
    %mul3A = arith.constant 2 : i32
    %mul3A_0 = arith.muli %arg1, %mul3A : i32
    %add3A = arith.addi %mul3A_0, %arg0 : i32
    "tpu.region"() ({
      %run_scoped3A = tpu.sem_alloc : memref<!tpu.dma_semaphore, #tpu.memory_space<semaphore_mem>>
      %dma_start3A = arith.constant 0 : i32
      %dma_start3A_13 = arith.constant 0 : i32
      %dma_start3A_14 = tpu.memref_slice %arg3[%add3A, %dma_start3A, %dma_start3A_13] : memref<32x100x100xi32, #tpu.memory_space<hbm>> -> memref<1x100x100xi32, #tpu.memory_space<hbm>>
      %dma_start3A_15 = tpu.memref_squeeze %dma_start3A_14 : memref<1x100x100xi32, #tpu.memory_space<hbm>> -> memref<100x100xi32, #tpu.memory_space<hbm>>
      %dma_start3A_16 = arith.constant 0 : i32
      %dma_start3A_17 = arith.constant 0 : i32
      %dma_start3A_18 = tpu.memref_slice %arg3[%add3A, %dma_start3A_16, %dma_start3A_17] : memref<32x100x100xi32, #tpu.memory_space<hbm>> -> memref<1x100x100xi32, #tpu.memory_space<hbm>>
      %dma_start3A_19 = tpu.memref_squeeze %dma_start3A_18 : memref<1x100x100xi32, #tpu.memory_space<hbm>> -> memref<100x100xi32, #tpu.memory_space<hbm>>
      tpu.enqueue_dma source(%dma_start3A_19 : memref<100x100xi32, #tpu.memory_space<hbm>>) target(%arg7 : memref<100x100xi32, #tpu.memory_space<vmem>>) target_semaphore(%run_scoped3A : memref<!tpu.dma_semaphore, #tpu.memory_space<semaphore_mem>>)
      %dma_wait3A = arith.constant 0 : i32
      %dma_wait3A_20 = arith.constant 0 : i32
      %dma_wait3A_21 = tpu.memref_slice %arg3[%add3A, %dma_wait3A, %dma_wait3A_20] : memref<32x100x100xi32, #tpu.memory_space<hbm>> -> memref<1x100x100xi32, #tpu.memory_space<hbm>>
      %dma_wait3A_22 = tpu.memref_squeeze %dma_wait3A_21 : memref<1x100x100xi32, #tpu.memory_space<hbm>> -> memref<100x100xi32, #tpu.memory_space<hbm>>
      %dma_wait3A_23 = arith.constant 0 : i32
      %dma_wait3A_24 = arith.constant 0 : i32
      %dma_wait3A_25 = tpu.memref_slice %arg3[%add3A, %dma_wait3A_23, %dma_wait3A_24] : memref<32x100x100xi32, #tpu.memory_space<hbm>> -> memref<1x100x100xi32, #tpu.memory_space<hbm>>
      %dma_wait3A_26 = tpu.memref_squeeze %dma_wait3A_25 : memref<1x100x100xi32, #tpu.memory_space<hbm>> -> memref<100x100xi32, #tpu.memory_space<hbm>>
      tpu.wait_dma2 semaphore(%run_scoped3A : memref<!tpu.dma_semaphore, #tpu.memory_space<semaphore_mem>>) src(%dma_wait3A_26 : memref<100x100xi32, #tpu.memory_space<hbm>>) dst(%arg7 : memref<100x100xi32, #tpu.memory_space<vmem>>)
      tpu.yield
    }) : () -> ()
    "tpu.region"() ({
      %run_scoped3A = tpu.sem_alloc : memref<!tpu.dma_semaphore, #tpu.memory_space<semaphore_mem>>
      %dma_start3A = arith.constant 0 : i32
      %dma_start3A_13 = arith.constant 0 : i32
      %dma_start3A_14 = tpu.memref_slice %arg4[%add3A, %dma_start3A, %dma_start3A_13] : memref<32x100x100xi32, #tpu.memory_space<hbm>> -> memref<1x100x100xi32, #tpu.memory_space<hbm>>
      %dma_start3A_15 = tpu.memref_squeeze %dma_start3A_14 : memref<1x100x100xi32, #tpu.memory_space<hbm>> -> memref<100x100xi32, #tpu.memory_space<hbm>>
      %dma_start3A_16 = arith.constant 0 : i32
      %dma_start3A_17 = arith.constant 0 : i32
      %dma_start3A_18 = tpu.memref_slice %arg4[%add3A, %dma_start3A_16, %dma_start3A_17] : memref<32x100x100xi32, #tpu.memory_space<hbm>> -> memref<1x100x100xi32, #tpu.memory_space<hbm>>
      %dma_start3A_19 = tpu.memref_squeeze %dma_start3A_18 : memref<1x100x100xi32, #tpu.memory_space<hbm>> -> memref<100x100xi32, #tpu.memory_space<hbm>>
      tpu.enqueue_dma source(%dma_start3A_19 : memref<100x100xi32, #tpu.memory_space<hbm>>) target(%arg8 : memref<100x100xi32, #tpu.memory_space<vmem>>) target_semaphore(%run_scoped3A : memref<!tpu.dma_semaphore, #tpu.memory_space<semaphore_mem>>)
      %dma_wait3A = arith.constant 0 : i32
      %dma_wait3A_20 = arith.constant 0 : i32
      %dma_wait3A_21 = tpu.memref_slice %arg4[%add3A, %dma_wait3A, %dma_wait3A_20] : memref<32x100x100xi32, #tpu.memory_space<hbm>> -> memref<1x100x100xi32, #tpu.memory_space<hbm>>
      %dma_wait3A_22 = tpu.memref_squeeze %dma_wait3A_21 : memref<1x100x100xi32, #tpu.memory_space<hbm>> -> memref<100x100xi32, #tpu.memory_space<hbm>>
      %dma_wait3A_23 = arith.constant 0 : i32
      %dma_wait3A_24 = arith.constant 0 : i32
      %dma_wait3A_25 = tpu.memref_slice %arg4[%add3A, %dma_wait3A_23, %dma_wait3A_24] : memref<32x100x100xi32, #tpu.memory_space<hbm>> -> memref<1x100x100xi32, #tpu.memory_space<hbm>>
      %dma_wait3A_26 = tpu.memref_squeeze %dma_wait3A_25 : memref<1x100x100xi32, #tpu.memory_space<hbm>> -> memref<100x100xi32, #tpu.memory_space<hbm>>
      tpu.wait_dma2 semaphore(%run_scoped3A : memref<!tpu.dma_semaphore, #tpu.memory_space<semaphore_mem>>) src(%dma_wait3A_26 : memref<100x100xi32, #tpu.memory_space<hbm>>) dst(%arg8 : memref<100x100xi32, #tpu.memory_space<vmem>>)
      tpu.yield
    }) : () -> ()
    %mul3A_1 = arith.constant 640 : i32
    %mul3A_2 = arith.muli %arg1, %mul3A_1 : i32
    "tpu.region"() ({
      %run_scoped3A = tpu.sem_alloc : memref<!tpu.dma_semaphore, #tpu.memory_space<semaphore_mem>>
      %dma_start3A = arith.constant 0 : i32
      %dma_start3A_13 = tpu.memref_slice %arg10[%mul3A_2, %dma_start3A] : memref<10240x128xf32, #tpu.memory_space<vmem_shared>> -> memref<640x128xf32, #tpu.memory_space<vmem_shared>>
      tpu.enqueue_dma source(%arg5 : memref<640x128xf32, #tpu.memory_space<hbm>>) target(%dma_start3A_13 : memref<640x128xf32, #tpu.memory_space<vmem_shared>>) target_semaphore(%run_scoped3A : memref<!tpu.dma_semaphore, #tpu.memory_space<semaphore_mem>>)
      %dma_wait3A = arith.constant 0 : i32
      %dma_wait3A_14 = tpu.memref_slice %arg10[%mul3A_2, %dma_wait3A] : memref<10240x128xf32, #tpu.memory_space<vmem_shared>> -> memref<640x128xf32, #tpu.memory_space<vmem_shared>>
      tpu.wait_dma2 semaphore(%run_scoped3A : memref<!tpu.dma_semaphore, #tpu.memory_space<semaphore_mem>>) src(%arg5 : memref<640x128xf32, #tpu.memory_space<hbm>>) dst(%dma_wait3A_14 : memref<640x128xf32, #tpu.memory_space<vmem_shared>>)
      tpu.yield
    }) : () -> ()
    %barrier3A = arith.constant 0 : index
    tpu.barrier barrier_id(%barrier3A)
    %scan3A = arith.constant 0 : i32
    %scan3A_3 = arith.constant 0 : i32
    %scan3A_4 = arith.constant 100 : i32
    %scan3A_5 = arith.addi %scan3A_3, %scan3A_4 : i32
    %scan3A_6 = arith.constant 1 : i32
    scf.for %scan3A_13 = %scan3A_3 to %scan3A_5 step %scan3A_6  : i32 {
      %dma_start3A = arith.constant 0 : i32
      %dma_start3A_14 = tpu.memref_slice %arg7[%scan3A_13, %dma_start3A] : memref<100x100xi32, #tpu.memory_space<vmem>> -> memref<1x100xi32, #tpu.memory_space<vmem>>
      %dma_start3A_15 = tpu.memref_squeeze %dma_start3A_14 : memref<1x100xi32, #tpu.memory_space<vmem>> -> memref<100xi32, #tpu.memory_space<vmem>>
      %dma_start3A_16 = arith.constant 0 : i32
      %dma_start3A_17 = arith.constant 0 : i32
      %dma_start3A_18 = tpu.memref_slice %arg2[%dma_start3A_16, %dma_start3A_17] : memref<10240x128xf32, #tpu.memory_space<hbm>> -> memref<10240x128xf32, #tpu.memory_space<hbm>>
      tpu.enqueue_indirect_dma source(%dma_start3A_18 : memref<10240x128xf32, #tpu.memory_space<hbm>>) target(%arg9 : memref<100x128xf32, #tpu.memory_space<vmem>>) offsets(%dma_start3A_15 : memref<100xi32, #tpu.memory_space<vmem>>) semaphore(%arg11 : memref<!tpu.dma_semaphore, #tpu.memory_space<semaphore_mem>>)
      %dma_wait3A = arith.constant 0 : i32
      %dma_wait3A_19 = tpu.memref_slice %arg7[%scan3A_13, %dma_wait3A] : memref<100x100xi32, #tpu.memory_space<vmem>> -> memref<1x100xi32, #tpu.memory_space<vmem>>
      %dma_wait3A_20 = tpu.memref_squeeze %dma_wait3A_19 : memref<1x100xi32, #tpu.memory_space<vmem>> -> memref<100xi32, #tpu.memory_space<vmem>>
      %dma_wait3A_21 = arith.constant 0 : i32
      %dma_wait3A_22 = arith.constant 0 : i32
      %dma_wait3A_23 = tpu.memref_slice %arg2[%dma_wait3A_21, %dma_wait3A_22] : memref<10240x128xf32, #tpu.memory_space<hbm>> -> memref<10240x128xf32, #tpu.memory_space<hbm>>
      tpu.wait_indirect_dma semaphore(%arg11 : memref<!tpu.dma_semaphore, #tpu.memory_space<semaphore_mem>>) src(%dma_wait3A_23 : memref<10240x128xf32, #tpu.memory_space<hbm>>) dst(%arg9 : memref<100x128xf32, #tpu.memory_space<vmem>>)
      "tpu.region"() ({
        %run_scoped3A = tpu.sem_alloc : memref<!tpu.dma_semaphore, #tpu.memory_space<semaphore_mem>>
        %dma_start3A_24 = arith.constant 0 : i32
        %dma_start3A_25 = tpu.memref_slice %arg8[%scan3A_13, %dma_start3A_24] : memref<100x100xi32, #tpu.memory_space<vmem>> -> memref<1x100xi32, #tpu.memory_space<vmem>>
        %dma_start3A_26 = tpu.memref_squeeze %dma_start3A_25 : memref<1x100xi32, #tpu.memory_space<vmem>> -> memref<100xi32, #tpu.memory_space<vmem>>
        %dma_start3A_27 = arith.constant 0 : i32
        %dma_start3A_28 = arith.constant 0 : i32
        %dma_start3A_29 = tpu.memref_slice %arg10[%dma_start3A_27, %dma_start3A_28] : memref<10240x128xf32, #tpu.memory_space<vmem_shared>> -> memref<10240x128xf32, #tpu.memory_space<vmem_shared>>
        tpu.enqueue_indirect_dma source(%arg9 : memref<100x128xf32, #tpu.memory_space<vmem>>) target(%dma_start3A_29 : memref<10240x128xf32, #tpu.memory_space<vmem_shared>>) offsets(%dma_start3A_26 : memref<100xi32, #tpu.memory_space<vmem>>) semaphore(%run_scoped3A : memref<!tpu.dma_semaphore, #tpu.memory_space<semaphore_mem>>) {add = true}
        %dma_wait3A_30 = arith.constant 0 : i32
        %dma_wait3A_31 = tpu.memref_slice %arg8[%scan3A_13, %dma_wait3A_30] : memref<100x100xi32, #tpu.memory_space<vmem>> -> memref<1x100xi32, #tpu.memory_space<vmem>>
        %dma_wait3A_32 = tpu.memref_squeeze %dma_wait3A_31 : memref<1x100xi32, #tpu.memory_space<vmem>> -> memref<100xi32, #tpu.memory_space<vmem>>
        %dma_wait3A_33 = arith.constant 0 : i32
        %dma_wait3A_34 = arith.constant 0 : i32
        %dma_wait3A_35 = tpu.memref_slice %arg10[%dma_wait3A_33, %dma_wait3A_34] : memref<10240x128xf32, #tpu.memory_space<vmem_shared>> -> memref<10240x128xf32, #tpu.memory_space<vmem_shared>>
        tpu.wait_indirect_dma semaphore(%run_scoped3A : memref<!tpu.dma_semaphore, #tpu.memory_space<semaphore_mem>>) src(%arg9 : memref<100x128xf32, #tpu.memory_space<vmem>>) dst(%dma_wait3A_35 : memref<10240x128xf32, #tpu.memory_space<vmem_shared>>)
        tpu.yield
      }) : () -> ()
    }
    %scan3A_7 = arith.constant 100 : i32
    %barrier3A_8 = arith.constant 0 : index
    tpu.barrier barrier_id(%barrier3A_8)
    %mul3A_9 = arith.constant 640 : i32
    %mul3A_10 = arith.muli %arg1, %mul3A_9 : i32
    %mul3A_11 = arith.constant 640 : i32
    %mul3A_12 = arith.muli %arg1, %mul3A_11 : i32
    "tpu.region"() ({
      %run_scoped3A = tpu.sem_alloc : memref<!tpu.dma_semaphore, #tpu.memory_space<semaphore_mem>>
      %dma_start3A = arith.constant 0 : i32
      %dma_start3A_13 = tpu.memref_slice %arg6[%arg0, %mul3A_12, %dma_start3A] : memref<2x10240x128xf32, #tpu.memory_space<hbm>> -> memref<1x640x128xf32, #tpu.memory_space<hbm>>
      %dma_start3A_14 = tpu.memref_squeeze %dma_start3A_13 : memref<1x640x128xf32, #tpu.memory_space<hbm>> -> memref<640x128xf32, #tpu.memory_space<hbm>>
      %dma_start3A_15 = arith.constant 0 : i32
      %dma_start3A_16 = tpu.memref_slice %arg10[%mul3A_10, %dma_start3A_15] : memref<10240x128xf32, #tpu.memory_space<vmem_shared>> -> memref<640x128xf32, #tpu.memory_space<vmem_shared>>
      tpu.enqueue_dma source(%dma_start3A_16 : memref<640x128xf32, #tpu.memory_space<vmem_shared>>) target(%dma_start3A_14 : memref<640x128xf32, #tpu.memory_space<hbm>>) target_semaphore(%run_scoped3A : memref<!tpu.dma_semaphore, #tpu.memory_space<semaphore_mem>>)
      %dma_wait3A = arith.constant 0 : i32
      %dma_wait3A_17 = tpu.memref_slice %arg6[%arg0, %mul3A_12, %dma_wait3A] : memref<2x10240x128xf32, #tpu.memory_space<hbm>> -> memref<1x640x128xf32, #tpu.memory_space<hbm>>
      %dma_wait3A_18 = tpu.memref_squeeze %dma_wait3A_17 : memref<1x640x128xf32, #tpu.memory_space<hbm>> -> memref<640x128xf32, #tpu.memory_space<hbm>>
      %dma_wait3A_19 = arith.constant 0 : i32
      %dma_wait3A_20 = tpu.memref_slice %arg10[%mul3A_10, %dma_wait3A_19] : memref<10240x128xf32, #tpu.memory_space<vmem_shared>> -> memref<640x128xf32, #tpu.memory_space<vmem_shared>>
      tpu.wait_dma2 semaphore(%run_scoped3A : memref<!tpu.dma_semaphore, #tpu.memory_space<semaphore_mem>>) src(%dma_wait3A_20 : memref<640x128xf32, #tpu.memory_space<vmem_shared>>) dst(%dma_wait3A_18 : memref<640x128xf32, #tpu.memory_space<hbm>>)
      tpu.yield
    }) : () -> ()
    return
  }
}

#map = affine_map<(d0, d1) -> (0, 0)>
#map1 = affine_map<(d0, d1) -> (0, 0, 0)>
module attributes {stable_mosaic.version = 14 : i64} {
  func.func @_agg(%arg0: i32, %arg1: i32, %arg2: memref<10240x128xf32, #tpu.memory_space<hbm>>, %arg3: memref<32x100x100xi32, #tpu.memory_space<hbm>>, %arg4: memref<32x100x100xi32, #tpu.memory_space<hbm>>, %arg5: memref<640x128xf32, #tpu.memory_space<hbm>>, %arg6: memref<2x10240x128xf32, #tpu.memory_space<hbm>>, %arg7: memref<100x100xi32, #tpu.memory_space<vmem>>, %arg8: memref<100x100xi32, #tpu.memory_space<vmem>>, %arg9: memref<100x128xf32, #tpu.memory_space<vmem>>, %arg10: memref<10240x128xf32, #tpu.memory_space<vmem_shared>>, %arg11: memref<!tpu.dma_semaphore, #tpu.memory_space<semaphore_mem>>) attributes {dimension_semantics = [#tpu.dimension_semantics<core_parallel>, #tpu.dimension_semantics<subcore_parallel>], iteration_bounds = array<i64: 2, 16>, scalar_prefetch = 0 : i64, scratch_operands = 5 : i64, tpu.core_type = #tpu.core_type<sc_vector_subcore>, window_params = [{transform_indices = #map}, {transform_indices = #map1}, {transform_indices = #map1}, {transform_indices = #map}, {transform_indices = #map1}]} {
    %mul3A = arith.constant 2 : i32
    %mul3A_0 = arith.muli %arg1, %mul3A : i32
    %add3A = arith.addi %mul3A_0, %arg0 : i32
    "tpu.region"() ({
      %run_scoped3A = tpu.sem_alloc : memref<!tpu.dma_semaphore, #tpu.memory_space<semaphore_mem>>
      %dma_start3A = arith.constant 0 : i32
      %dma_start3A_13 = arith.constant 0 : i32
      %dma_start3A_14 = tpu.memref_slice %arg3[%add3A, %dma_start3A, %dma_start3A_13] : memref<32x100x100xi32, #tpu.memory_space<hbm>> -> memref<1x100x100xi32, #tpu.memory_space<hbm>>
      %dma_start3A_15 = tpu.memref_squeeze %dma_start3A_14 : memref<1x100x100xi32, #tpu.memory_space<hbm>> -> memref<100x100xi32, #tpu.memory_space<hbm>>
      %dma_start3A_16 = arith.constant 0 : i32
      %dma_start3A_17 = arith.constant 0 : i32
      %dma_start3A_18 = tpu.memref_slice %arg3[%add3A, %dma_start3A_16, %dma_start3A_17] : memref<32x100x100xi32, #tpu.memory_space<hbm>> -> memref<1x100x100xi32, #tpu.memory_space<hbm>>
      %dma_start3A_19 = tpu.memref_squeeze %dma_start3A_18 : memref<1x100x100xi32, #tpu.memory_space<hbm>> -> memref<100x100xi32, #tpu.memory_space<hbm>>
      tpu.enqueue_dma source(%dma_start3A_19 : memref<100x100xi32, #tpu.memory_space<hbm>>) target(%arg7 : memref<100x100xi32, #tpu.memory_space<vmem>>) target_semaphore(%run_scoped3A : memref<!tpu.dma_semaphore, #tpu.memory_space<semaphore_mem>>)
      %dma_wait3A = arith.constant 0 : i32
      %dma_wait3A_20 = arith.constant 0 : i32
      %dma_wait3A_21 = tpu.memref_slice %arg3[%add3A, %dma_wait3A, %dma_wait3A_20] : memref<32x100x100xi32, #tpu.memory_space<hbm>> -> memref<1x100x100xi32, #tpu.memory_space<hbm>>
      %dma_wait3A_22 = tpu.memref_squeeze %dma_wait3A_21 : memref<1x100x100xi32, #tpu.memory_space<hbm>> -> memref<100x100xi32, #tpu.memory_space<hbm>>
      %dma_wait3A_23 = arith.constant 0 : i32
      %dma_wait3A_24 = arith.constant 0 : i32
      %dma_wait3A_25 = tpu.memref_slice %arg3[%add3A, %dma_wait3A_23, %dma_wait3A_24] : memref<32x100x100xi32, #tpu.memory_space<hbm>> -> memref<1x100x100xi32, #tpu.memory_space<hbm>>
      %dma_wait3A_26 = tpu.memref_squeeze %dma_wait3A_25 : memref<1x100x100xi32, #tpu.memory_space<hbm>> -> memref<100x100xi32, #tpu.memory_space<hbm>>
      tpu.wait_dma2 semaphore(%run_scoped3A : memref<!tpu.dma_semaphore, #tpu.memory_space<semaphore_mem>>) src(%dma_wait3A_26 : memref<100x100xi32, #tpu.memory_space<hbm>>) dst(%arg7 : memref<100x100xi32, #tpu.memory_space<vmem>>)
      tpu.yield
    }) : () -> ()
    "tpu.region"() ({
      %run_scoped3A = tpu.sem_alloc : memref<!tpu.dma_semaphore, #tpu.memory_space<semaphore_mem>>
      %dma_start3A = arith.constant 0 : i32
      %dma_start3A_13 = arith.constant 0 : i32
      %dma_start3A_14 = tpu.memref_slice %arg4[%add3A, %dma_start3A, %dma_start3A_13] : memref<32x100x100xi32, #tpu.memory_space<hbm>> -> memref<1x100x100xi32, #tpu.memory_space<hbm>>
      %dma_start3A_15 = tpu.memref_squeeze %dma_start3A_14 : memref<1x100x100xi32, #tpu.memory_space<hbm>> -> memref<100x100xi32, #tpu.memory_space<hbm>>
      %dma_start3A_16 = arith.constant 0 : i32
      %dma_start3A_17 = arith.constant 0 : i32
      %dma_start3A_18 = tpu.memref_slice %arg4[%add3A, %dma_start3A_16, %dma_start3A_17] : memref<32x100x100xi32, #tpu.memory_space<hbm>> -> memref<1x100x100xi32, #tpu.memory_space<hbm>>
      %dma_start3A_19 = tpu.memref_squeeze %dma_start3A_18 : memref<1x100x100xi32, #tpu.memory_space<hbm>> -> memref<100x100xi32, #tpu.memory_space<hbm>>
      tpu.enqueue_dma source(%dma_start3A_19 : memref<100x100xi32, #tpu.memory_space<hbm>>) target(%arg8 : memref<100x100xi32, #tpu.memory_space<vmem>>) target_semaphore(%run_scoped3A : memref<!tpu.dma_semaphore, #tpu.memory_space<semaphore_mem>>)
      %dma_wait3A = arith.constant 0 : i32
      %dma_wait3A_20 = arith.constant 0 : i32
      %dma_wait3A_21 = tpu.memref_slice %arg4[%add3A, %dma_wait3A, %dma_wait3A_20] : memref<32x100x100xi32, #tpu.memory_space<hbm>> -> memref<1x100x100xi32, #tpu.memory_space<hbm>>
      %dma_wait3A_22 = tpu.memref_squeeze %dma_wait3A_21 : memref<1x100x100xi32, #tpu.memory_space<hbm>> -> memref<100x100xi32, #tpu.memory_space<hbm>>
      %dma_wait3A_23 = arith.constant 0 : i32
      %dma_wait3A_24 = arith.constant 0 : i32
      %dma_wait3A_25 = tpu.memref_slice %arg4[%add3A, %dma_wait3A_23, %dma_wait3A_24] : memref<32x100x100xi32, #tpu.memory_space<hbm>> -> memref<1x100x100xi32, #tpu.memory_space<hbm>>
      %dma_wait3A_26 = tpu.memref_squeeze %dma_wait3A_25 : memref<1x100x100xi32, #tpu.memory_space<hbm>> -> memref<100x100xi32, #tpu.memory_space<hbm>>
      tpu.wait_dma2 semaphore(%run_scoped3A : memref<!tpu.dma_semaphore, #tpu.memory_space<semaphore_mem>>) src(%dma_wait3A_26 : memref<100x100xi32, #tpu.memory_space<hbm>>) dst(%arg8 : memref<100x100xi32, #tpu.memory_space<vmem>>)
      tpu.yield
    }) : () -> ()
    %mul3A_1 = arith.constant 640 : i32
    %mul3A_2 = arith.muli %arg1, %mul3A_1 : i32
    "tpu.region"() ({
      %run_scoped3A = tpu.sem_alloc : memref<!tpu.dma_semaphore, #tpu.memory_space<semaphore_mem>>
      %dma_start3A = arith.constant 0 : i32
      %dma_start3A_13 = tpu.memref_slice %arg10[%mul3A_2, %dma_start3A] : memref<10240x128xf32, #tpu.memory_space<vmem_shared>> -> memref<640x128xf32, #tpu.memory_space<vmem_shared>>
      tpu.enqueue_dma source(%arg5 : memref<640x128xf32, #tpu.memory_space<hbm>>) target(%dma_start3A_13 : memref<640x128xf32, #tpu.memory_space<vmem_shared>>) target_semaphore(%run_scoped3A : memref<!tpu.dma_semaphore, #tpu.memory_space<semaphore_mem>>)
      %dma_wait3A = arith.constant 0 : i32
      %dma_wait3A_14 = tpu.memref_slice %arg10[%mul3A_2, %dma_wait3A] : memref<10240x128xf32, #tpu.memory_space<vmem_shared>> -> memref<640x128xf32, #tpu.memory_space<vmem_shared>>
      tpu.wait_dma2 semaphore(%run_scoped3A : memref<!tpu.dma_semaphore, #tpu.memory_space<semaphore_mem>>) src(%arg5 : memref<640x128xf32, #tpu.memory_space<hbm>>) dst(%dma_wait3A_14 : memref<640x128xf32, #tpu.memory_space<vmem_shared>>)
      tpu.yield
    }) : () -> ()
    %barrier3A = arith.constant 0 : index
    tpu.barrier barrier_id(%barrier3A)
    %scan3A = arith.constant 0 : i32
    %scan3A_3 = arith.constant 0 : i32
    %scan3A_4 = arith.constant 100 : i32
    %scan3A_5 = arith.addi %scan3A_3, %scan3A_4 : i32
    %scan3A_6 = arith.constant 1 : i32
    scf.for %scan3A_13 = %scan3A_3 to %scan3A_5 step %scan3A_6  : i32 {
      %dma_start3A = arith.constant 0 : i32
      %dma_start3A_14 = tpu.memref_slice %arg7[%scan3A_13, %dma_start3A] : memref<100x100xi32, #tpu.memory_space<vmem>> -> memref<1x100xi32, #tpu.memory_space<vmem>>
      %dma_start3A_15 = tpu.memref_squeeze %dma_start3A_14 : memref<1x100xi32, #tpu.memory_space<vmem>> -> memref<100xi32, #tpu.memory_space<vmem>>
      %dma_start3A_16 = arith.constant 0 : i32
      %dma_start3A_17 = arith.constant 0 : i32
      %dma_start3A_18 = tpu.memref_slice %arg2[%dma_start3A_16, %dma_start3A_17] : memref<10240x128xf32, #tpu.memory_space<hbm>> -> memref<10240x128xf32, #tpu.memory_space<hbm>>
      tpu.enqueue_indirect_dma source(%dma_start3A_18 : memref<10240x128xf32, #tpu.memory_space<hbm>>) target(%arg9 : memref<100x128xf32, #tpu.memory_space<vmem>>) offsets(%dma_start3A_15 : memref<100xi32, #tpu.memory_space<vmem>>) semaphore(%arg11 : memref<!tpu.dma_semaphore, #tpu.memory_space<semaphore_mem>>)
      %dma_wait3A = arith.constant 0 : i32
      %dma_wait3A_19 = tpu.memref_slice %arg7[%scan3A_13, %dma_wait3A] : memref<100x100xi32, #tpu.memory_space<vmem>> -> memref<1x100xi32, #tpu.memory_space<vmem>>
      %dma_wait3A_20 = tpu.memref_squeeze %dma_wait3A_19 : memref<1x100xi32, #tpu.memory_space<vmem>> -> memref<100xi32, #tpu.memory_space<vmem>>
      %dma_wait3A_21 = arith.constant 0 : i32
      %dma_wait3A_22 = arith.constant 0 : i32
      %dma_wait3A_23 = tpu.memref_slice %arg2[%dma_wait3A_21, %dma_wait3A_22] : memref<10240x128xf32, #tpu.memory_space<hbm>> -> memref<10240x128xf32, #tpu.memory_space<hbm>>
      tpu.wait_indirect_dma semaphore(%arg11 : memref<!tpu.dma_semaphore, #tpu.memory_space<semaphore_mem>>) src(%dma_wait3A_23 : memref<10240x128xf32, #tpu.memory_space<hbm>>) dst(%arg9 : memref<100x128xf32, #tpu.memory_space<vmem>>)
      "tpu.region"() ({
        %run_scoped3A = tpu.sem_alloc : memref<!tpu.dma_semaphore, #tpu.memory_space<semaphore_mem>>
        %dma_start3A_24 = arith.constant 0 : i32
        %dma_start3A_25 = tpu.memref_slice %arg8[%scan3A_13, %dma_start3A_24] : memref<100x100xi32, #tpu.memory_space<vmem>> -> memref<1x100xi32, #tpu.memory_space<vmem>>
        %dma_start3A_26 = tpu.memref_squeeze %dma_start3A_25 : memref<1x100xi32, #tpu.memory_space<vmem>> -> memref<100xi32, #tpu.memory_space<vmem>>
        %dma_start3A_27 = arith.constant 0 : i32
        %dma_start3A_28 = arith.constant 0 : i32
        %dma_start3A_29 = tpu.memref_slice %arg10[%dma_start3A_27, %dma_start3A_28] : memref<10240x128xf32, #tpu.memory_space<vmem_shared>> -> memref<10240x128xf32, #tpu.memory_space<vmem_shared>>
        tpu.enqueue_indirect_dma source(%arg9 : memref<100x128xf32, #tpu.memory_space<vmem>>) target(%dma_start3A_29 : memref<10240x128xf32, #tpu.memory_space<vmem_shared>>) offsets(%dma_start3A_26 : memref<100xi32, #tpu.memory_space<vmem>>) semaphore(%run_scoped3A : memref<!tpu.dma_semaphore, #tpu.memory_space<semaphore_mem>>) {add = true}
        %dma_wait3A_30 = arith.constant 0 : i32
        %dma_wait3A_31 = tpu.memref_slice %arg8[%scan3A_13, %dma_wait3A_30] : memref<100x100xi32, #tpu.memory_space<vmem>> -> memref<1x100xi32, #tpu.memory_space<vmem>>
        %dma_wait3A_32 = tpu.memref_squeeze %dma_wait3A_31 : memref<1x100xi32, #tpu.memory_space<vmem>> -> memref<100xi32, #tpu.memory_space<vmem>>
        %dma_wait3A_33 = arith.constant 0 : i32
        %dma_wait3A_34 = arith.constant 0 : i32
        %dma_wait3A_35 = tpu.memref_slice %arg10[%dma_wait3A_33, %dma_wait3A_34] : memref<10240x128xf32, #tpu.memory_space<vmem_shared>> -> memref<10240x128xf32, #tpu.memory_space<vmem_shared>>
        tpu.wait_indirect_dma semaphore(%run_scoped3A : memref<!tpu.dma_semaphore, #tpu.memory_space<semaphore_mem>>) src(%arg9 : memref<100x128xf32, #tpu.memory_space<vmem>>) dst(%dma_wait3A_35 : memref<10240x128xf32, #tpu.memory_space<vmem_shared>>)
        tpu.yield
      }) : () -> ()
    }
    %scan3A_7 = arith.constant 100 : i32
    %barrier3A_8 = arith.constant 0 : index
    tpu.barrier barrier_id(%barrier3A_8)
    %mul3A_9 = arith.constant 640 : i32
    %mul3A_10 = arith.muli %arg1, %mul3A_9 : i32
    %mul3A_11 = arith.constant 640 : i32
    %mul3A_12 = arith.muli %arg1, %mul3A_11 : i32
    "tpu.region"() ({
      %run_scoped3A = tpu.sem_alloc : memref<!tpu.dma_semaphore, #tpu.memory_space<semaphore_mem>>
      %dma_start3A = arith.constant 0 : i32
      %dma_start3A_13 = tpu.memref_slice %arg6[%arg0, %mul3A_12, %dma_start3A] : memref<2x10240x128xf32, #tpu.memory_space<hbm>> -> memref<1x640x128xf32, #tpu.memory_space<hbm>>
      %dma_start3A_14 = tpu.memref_squeeze %dma_start3A_13 : memref<1x640x128xf32, #tpu.memory_space<hbm>> -> memref<640x128xf32, #tpu.memory_space<hbm>>
      %dma_start3A_15 = arith.constant 0 : i32
      %dma_start3A_16 = tpu.memref_slice %arg10[%mul3A_10, %dma_start3A_15] : memref<10240x128xf32, #tpu.memory_space<vmem_shared>> -> memref<640x128xf32, #tpu.memory_space<vmem_shared>>
      tpu.enqueue_dma source(%dma_start3A_16 : memref<640x128xf32, #tpu.memory_space<vmem_shared>>) target(%dma_start3A_14 : memref<640x128xf32, #tpu.memory_space<hbm>>) target_semaphore(%run_scoped3A : memref<!tpu.dma_semaphore, #tpu.memory_space<semaphore_mem>>)
      %dma_wait3A = arith.constant 0 : i32
      %dma_wait3A_17 = tpu.memref_slice %arg6[%arg0, %mul3A_12, %dma_wait3A] : memref<2x10240x128xf32, #tpu.memory_space<hbm>> -> memref<1x640x128xf32, #tpu.memory_space<hbm>>
      %dma_wait3A_18 = tpu.memref_squeeze %dma_wait3A_17 : memref<1x640x128xf32, #tpu.memory_space<hbm>> -> memref<640x128xf32, #tpu.memory_space<hbm>>
      %dma_wait3A_19 = arith.constant 0 : i32
      %dma_wait3A_20 = tpu.memref_slice %arg10[%mul3A_10, %dma_wait3A_19] : memref<10240x128xf32, #tpu.memory_space<vmem_shared>> -> memref<640x128xf32, #tpu.memory_space<vmem_shared>>
      tpu.wait_dma2 semaphore(%run_scoped3A : memref<!tpu.dma_semaphore, #tpu.memory_space<semaphore_mem>>) src(%dma_wait3A_20 : memref<640x128xf32, #tpu.memory_space<vmem_shared>>) dst(%dma_wait3A_18 : memref<640x128xf32, #tpu.memory_space<hbm>>)
      tpu.yield
    }) : () -> ()
    return
  }
}

module attributes {stable_mosaic.version = 14 : i64} {
  func.func @body(%arg0: i32, %arg1: memref<2x1024x128xf32, #tpu.memory_space<vmem>>, %arg2: memref<1024x128xf32, #tpu.memory_space<vmem>>, %arg3: memref<1024x1xf32, #tpu.memory_space<vmem>>, %arg4: memref<1x128xf32, #tpu.memory_space<vmem>>, %arg5: memref<128x128xf32, #tpu.memory_space<vmem>>, %arg6: memref<1024x128xf32, #tpu.memory_space<vmem>>) attributes {dimension_semantics = [#tpu.dimension_semantics<arbitrary>], iteration_bounds = array<i64: 10>, scalar_prefetch = 0 : i64, scratch_operands = 0 : i64, tpu.core_type = #tpu.core_type<tc>, window_params = [{transform_indices = @transform_0, window_bounds = array<i64: 2, 1024, 128>}, {transform_indices = @transform_1, window_bounds = array<i64: 1024, 128>}, {transform_indices = @transform_2, window_bounds = array<i64: 1024, 1>}, {pipeline_mode = #tpu.pipeline_mode<synchronous>, transform_indices = @transform_3, window_bounds = array<i64: 1, 128>}, {pipeline_mode = #tpu.pipeline_mode<synchronous>, transform_indices = @transform_4, window_bounds = array<i64: 128, 128>}, {transform_indices = @transform_5, window_bounds = array<i64: 1024, 128>}]} {
    %get3A = arith.constant 0 : index
    %get3A_0 = arith.constant 0 : index
    %get3A_1 = vector.load %arg3[%get3A, %get3A_0] : memref<1024x1xf32, #tpu.memory_space<vmem>>, vector<1024x1xf32>
    %get3A_2 = arith.constant 0 : index
    %get3A_3 = arith.constant 0 : index
    %get3A_4 = arith.constant 0 : index
    %get3A_5 = vector.load %arg1[%get3A_2, %get3A_3, %get3A_4] : memref<2x1024x128xf32, #tpu.memory_space<vmem>>, vector<1x1024x128xf32>
    %get3A_6 = vector.shape_cast %get3A_5 : vector<1x1024x128xf32> to vector<1024x128xf32>
    %get3A_7 = arith.constant 1 : index
    %get3A_8 = arith.constant 0 : index
    %get3A_9 = arith.constant 0 : index
    %get3A_10 = vector.load %arg1[%get3A_7, %get3A_8, %get3A_9] : memref<2x1024x128xf32, #tpu.memory_space<vmem>>, vector<1x1024x128xf32>
    %get3A_11 = vector.shape_cast %get3A_10 : vector<1x1024x128xf32> to vector<1024x128xf32>
    %add3A = arith.addf %get3A_6, %get3A_11 : vector<1024x128xf32>
    %get3A_12 = arith.constant 0 : index
    %get3A_13 = arith.constant 0 : index
    %get3A_14 = vector.load %arg2[%get3A_12, %get3A_13] : memref<1024x128xf32, #tpu.memory_space<vmem>>, vector<1024x128xf32>
    %add3A_15 = arith.addf %add3A, %get3A_14 : vector<1024x128xf32>
    %mul3A = vector.broadcast %get3A_1 : vector<1024x1xf32> to vector<1024x128xf32>
    %mul3A_16 = arith.mulf %mul3A, %add3A_15 : vector<1024x128xf32>
    %get3A_17 = arith.constant 0 : index
    %get3A_18 = arith.constant 0 : index
    %get3A_19 = vector.load %arg4[%get3A_17, %get3A_18] : memref<1x128xf32, #tpu.memory_space<vmem>>, vector<1x128xf32>
    %add3A_20 = vector.broadcast %get3A_19 : vector<1x128xf32> to vector<1024x128xf32>
    %add3A_21 = arith.addf %mul3A_16, %add3A_20 : vector<1024x128xf32>
    %gt3A = arith.constant 0.000000e+00 : f32
    %gt3A_22 = vector.broadcast %gt3A : f32 to vector<1024x128xf32>
    %gt3A_23 = arith.cmpf ogt, %add3A_21, %gt3A_22 : vector<1024x128xf32>
    %exp3A = math.exp %add3A_21 : vector<1024x128xf32>
    %sub3A = arith.constant 1.000000e+00 : f32
    %sub3A_24 = vector.broadcast %sub3A : f32 to vector<1024x128xf32>
    %sub3A_25 = arith.subf %exp3A, %sub3A_24 : vector<1024x128xf32>
    %select_n3A = arith.select %gt3A_23, %add3A_21, %sub3A_25 : vector<1024x128xi1>, vector<1024x128xf32>
    %get3A_26 = arith.constant 0 : index
    %get3A_27 = arith.constant 0 : index
    %get3A_28 = vector.load %arg5[%get3A_26, %get3A_27] : memref<128x128xf32, #tpu.memory_space<vmem>>, vector<128x128xf32>
    %dot_general3A = arith.constant dense<0.000000e+00> : vector<1024x128xf32>
    %dot_general3A_29 = tpu.matmul %select_n3A, %get3A_28, %dot_general3A {dimension_numbers = #tpu.dot_dimension_numbers<[1], [0], [0], [1], [0, 0, 1, 1], [], []>, transpose_lhs_hint = false} : vector<1024x128xf32>, vector<128x128xf32>, vector<1024x128xf32> -> vector<1024x128xf32>
    %mul3A_30 = vector.broadcast %get3A_1 : vector<1024x1xf32> to vector<1024x128xf32>
    %mul3A_31 = arith.mulf %dot_general3A_29, %mul3A_30 : vector<1024x128xf32>
    %swap3A = arith.constant 0 : index
    %swap3A_32 = arith.constant 0 : index
    %swap3A_33 = vector.load %arg6[%swap3A, %swap3A_32] : memref<1024x128xf32, #tpu.memory_space<vmem>>, vector<1024x128xf32>
    tpu.vector_store %arg6[%swap3A, %swap3A_32], %mul3A_31 {strides = array<i32>} : memref<1024x128xf32, #tpu.memory_space<vmem>>, vector<1024x128xf32>,
    return
  }
  func.func @transform_0(%arg0: i32) -> (i32, i32, i32) {
    %c0_i32 = arith.constant 0 : i32
    %c0_i32_0 = arith.constant 0 : i32
    %c0_i32_1 = arith.constant 0 : i32
    return %c0_i32, %arg0, %c0_i32_0 : i32, i32, i32
  }
  func.func @transform_1(%arg0: i32) -> (i32, i32) {
    %c0_i32 = arith.constant 0 : i32
    %c0_i32_0 = arith.constant 0 : i32
    return %arg0, %c0_i32 : i32, i32
  }
  func.func @transform_2(%arg0: i32) -> (i32, i32) {
    %c0_i32 = arith.constant 0 : i32
    %c0_i32_0 = arith.constant 0 : i32
    return %arg0, %c0_i32 : i32, i32
  }
  func.func @transform_3(%arg0: i32) -> (i32, i32) {
    %c0_i32 = arith.constant 0 : i32
    %c0_i32_0 = arith.constant 0 : i32
    %c0_i32_1 = arith.constant 0 : i32
    return %c0_i32, %c0_i32_0 : i32, i32
  }
  func.func @transform_4(%arg0: i32) -> (i32, i32) {
    %c0_i32 = arith.constant 0 : i32
    %c0_i32_0 = arith.constant 0 : i32
    %c0_i32_1 = arith.constant 0 : i32
    return %c0_i32, %c0_i32_0 : i32, i32
  }
  func.func @transform_5(%arg0: i32) -> (i32, i32) {
    %c0_i32 = arith.constant 0 : i32
    %c0_i32_0 = arith.constant 0 : i32
    return %arg0, %c0_i32 : i32, i32
  }
}

module attributes {stable_mosaic.version = 14 : i64} {
  func.func @body(%arg0: i32, %arg1: memref<1024x128xf32, #tpu.memory_space<vmem>>, %arg2: memref<128x128xf32, #tpu.memory_space<vmem>>, %arg3: memref<2x1024x128xf32, #tpu.memory_space<vmem>>, %arg4: memref<1024x128xf32, #tpu.memory_space<vmem>>, %arg5: memref<1024x1xf32, #tpu.memory_space<vmem>>) attributes {dimension_semantics = [#tpu.dimension_semantics<arbitrary>], iteration_bounds = array<i64: 10>, scalar_prefetch = 0 : i64, scratch_operands = 0 : i64, tpu.core_type = #tpu.core_type<tc>, window_params = [{transform_indices = @transform_0, window_bounds = array<i64: 1024, 128>}, {pipeline_mode = #tpu.pipeline_mode<synchronous>, transform_indices = @transform_1, window_bounds = array<i64: 128, 128>}, {transform_indices = @transform_2, window_bounds = array<i64: 2, 1024, 128>}, {transform_indices = @transform_3, window_bounds = array<i64: 1024, 128>}, {transform_indices = @transform_4, window_bounds = array<i64: 1024, 1>}]} {
    %get3A = arith.constant 0 : index
    %get3A_0 = arith.constant 0 : index
    %get3A_1 = arith.constant 0 : index
    %get3A_2 = vector.load %arg3[%get3A, %get3A_0, %get3A_1] : memref<2x1024x128xf32, #tpu.memory_space<vmem>>, vector<1x1024x128xf32>
    %get3A_3 = vector.shape_cast %get3A_2 : vector<1x1024x128xf32> to vector<1024x128xf32>
    %slice3A = vector.extract_strided_slice %get3A_3 {offsets = [0, 0], sizes = [1024, 1], strides = [1, 1]} : vector<1024x128xf32> to vector<1024x1xf32>
    %get3A_4 = arith.constant 1 : index
    %get3A_5 = arith.constant 0 : index
    %get3A_6 = arith.constant 0 : index
    %get3A_7 = vector.load %arg3[%get3A_4, %get3A_5, %get3A_6] : memref<2x1024x128xf32, #tpu.memory_space<vmem>>, vector<1x1024x128xf32>
    %get3A_8 = vector.shape_cast %get3A_7 : vector<1x1024x128xf32> to vector<1024x128xf32>
    %slice3A_9 = vector.extract_strided_slice %get3A_8 {offsets = [0, 0], sizes = [1024, 1], strides = [1, 1]} : vector<1024x128xf32> to vector<1024x1xf32>
    %add3A = arith.addf %slice3A, %slice3A_9 : vector<1024x1xf32>
    %add3A_10 = arith.constant 1.000000e+00 : f32
    %add3A_11 = vector.broadcast %add3A_10 : f32 to vector<1024x1xf32>
    %add3A_12 = arith.addf %add3A, %add3A_11 : vector<1024x1xf32>
    %rsqrt3A = math.rsqrt %add3A_12 : vector<1024x1xf32>
    %get3A_13 = arith.constant 0 : index
    %get3A_14 = arith.constant 0 : index
    %get3A_15 = vector.load %arg1[%get3A_13, %get3A_14] : memref<1024x128xf32, #tpu.memory_space<vmem>>, vector<1024x128xf32>
    %get3A_16 = arith.constant 0 : index
    %get3A_17 = arith.constant 0 : index
    %get3A_18 = vector.load %arg2[%get3A_16, %get3A_17] : memref<128x128xf32, #tpu.memory_space<vmem>>, vector<128x128xf32>
    %dot_general3A = arith.constant dense<0.000000e+00> : vector<1024x128xf32>
    %dot_general3A_19 = tpu.matmul %get3A_15, %get3A_18, %dot_general3A {dimension_numbers = #tpu.dot_dimension_numbers<[1], [0], [0], [1], [0, 0, 1, 1], [], []>, transpose_lhs_hint = false} : vector<1024x128xf32>, vector<128x128xf32>, vector<1024x128xf32> -> vector<1024x128xf32>
    %mul3A = vector.broadcast %rsqrt3A : vector<1024x1xf32> to vector<1024x128xf32>
    %mul3A_20 = arith.mulf %dot_general3A_19, %mul3A : vector<1024x128xf32>
    %swap3A = arith.constant 0 : index
    %swap3A_21 = arith.constant 0 : index
    %swap3A_22 = vector.load %arg4[%swap3A, %swap3A_21] : memref<1024x128xf32, #tpu.memory_space<vmem>>, vector<1024x128xf32>
    tpu.vector_store %arg4[%swap3A, %swap3A_21], %mul3A_20 {strides = array<i32>} : memref<1024x128xf32, #tpu.memory_space<vmem>>, vector<1024x128xf32>,
    %swap3A_23 = arith.constant 0 : index
    %swap3A_24 = arith.constant 0 : index
    %swap3A_25 = vector.load %arg5[%swap3A_23, %swap3A_24] : memref<1024x1xf32, #tpu.memory_space<vmem>>, vector<1024x1xf32>
    tpu.vector_store %arg5[%swap3A_23, %swap3A_24], %rsqrt3A {strides = array<i32>} : memref<1024x1xf32, #tpu.memory_space<vmem>>, vector<1024x1xf32>,
    return
  }
  func.func @transform_0(%arg0: i32) -> (i32, i32) {
    %c0_i32 = arith.constant 0 : i32
    %c0_i32_0 = arith.constant 0 : i32
    return %arg0, %c0_i32 : i32, i32
  }
  func.func @transform_1(%arg0: i32) -> (i32, i32) {
    %c0_i32 = arith.constant 0 : i32
    %c0_i32_0 = arith.constant 0 : i32
    %c0_i32_1 = arith.constant 0 : i32
    return %c0_i32, %c0_i32_0 : i32, i32
  }
  func.func @transform_2(%arg0: i32) -> (i32, i32, i32) {
    %c0_i32 = arith.constant 0 : i32
    %c0_i32_0 = arith.constant 0 : i32
    %c0_i32_1 = arith.constant 0 : i32
    return %c0_i32, %arg0, %c0_i32_0 : i32, i32, i32
  }
  func.func @transform_3(%arg0: i32) -> (i32, i32) {
    %c0_i32 = arith.constant 0 : i32
    %c0_i32_0 = arith.constant 0 : i32
    return %arg0, %c0_i32 : i32, i32
  }
  func.func @transform_4(%arg0: i32) -> (i32, i32) {
    %c0_i32 = arith.constant 0 : i32
    %c0_i32_0 = arith.constant 0 : i32
    return %arg0, %c0_i32 : i32, i32
  }
}

module attributes {stable_mosaic.version = 14 : i64} {
  func.func @body(%arg0: i32, %arg1: memref<2x1024x128xf32, #tpu.memory_space<vmem>>, %arg2: memref<1024x128xf32, #tpu.memory_space<vmem>>, %arg3: memref<1024x1xf32, #tpu.memory_space<vmem>>, %arg4: memref<1x128xf32, #tpu.memory_space<vmem>>, %arg5: memref<128x1xf32, #tpu.memory_space<vmem>>, %arg6: memref<1x1xf32, #tpu.memory_space<vmem>>, %arg7: memref<1024x1xf32, #tpu.memory_space<vmem>>) attributes {dimension_semantics = [#tpu.dimension_semantics<arbitrary>], iteration_bounds = array<i64: 10>, scalar_prefetch = 0 : i64, scratch_operands = 0 : i64, tpu.core_type = #tpu.core_type<tc>, window_params = [{transform_indices = @transform_0, window_bounds = array<i64: 2, 1024, 128>}, {transform_indices = @transform_1, window_bounds = array<i64: 1024, 128>}, {transform_indices = @transform_2, window_bounds = array<i64: 1024, 1>}, {pipeline_mode = #tpu.pipeline_mode<synchronous>, transform_indices = @transform_3, window_bounds = array<i64: 1, 128>}, {pipeline_mode = #tpu.pipeline_mode<synchronous>, transform_indices = @transform_4, window_bounds = array<i64: 128, 1>}, {pipeline_mode = #tpu.pipeline_mode<synchronous>, transform_indices = @transform_5, window_bounds = array<i64: 1, 1>}, {transform_indices = @transform_6, window_bounds = array<i64: 1024, 1>}]} {
    %get3A = arith.constant 0 : index
    %get3A_0 = arith.constant 0 : index
    %get3A_1 = vector.load %arg3[%get3A, %get3A_0] : memref<1024x1xf32, #tpu.memory_space<vmem>>, vector<1024x1xf32>
    %get3A_2 = arith.constant 0 : index
    %get3A_3 = arith.constant 0 : index
    %get3A_4 = arith.constant 0 : index
    %get3A_5 = vector.load %arg1[%get3A_2, %get3A_3, %get3A_4] : memref<2x1024x128xf32, #tpu.memory_space<vmem>>, vector<1x1024x128xf32>
    %get3A_6 = vector.shape_cast %get3A_5 : vector<1x1024x128xf32> to vector<1024x128xf32>
    %get3A_7 = arith.constant 1 : index
    %get3A_8 = arith.constant 0 : index
    %get3A_9 = arith.constant 0 : index
    %get3A_10 = vector.load %arg1[%get3A_7, %get3A_8, %get3A_9] : memref<2x1024x128xf32, #tpu.memory_space<vmem>>, vector<1x1024x128xf32>
    %get3A_11 = vector.shape_cast %get3A_10 : vector<1x1024x128xf32> to vector<1024x128xf32>
    %add3A = arith.addf %get3A_6, %get3A_11 : vector<1024x128xf32>
    %get3A_12 = arith.constant 0 : index
    %get3A_13 = arith.constant 0 : index
    %get3A_14 = vector.load %arg2[%get3A_12, %get3A_13] : memref<1024x128xf32, #tpu.memory_space<vmem>>, vector<1024x128xf32>
    %add3A_15 = arith.addf %add3A, %get3A_14 : vector<1024x128xf32>
    %mul3A = vector.broadcast %get3A_1 : vector<1024x1xf32> to vector<1024x128xf32>
    %mul3A_16 = arith.mulf %mul3A, %add3A_15 : vector<1024x128xf32>
    %get3A_17 = arith.constant 0 : index
    %get3A_18 = arith.constant 0 : index
    %get3A_19 = vector.load %arg4[%get3A_17, %get3A_18] : memref<1x128xf32, #tpu.memory_space<vmem>>, vector<1x128xf32>
    %add3A_20 = vector.broadcast %get3A_19 : vector<1x128xf32> to vector<1024x128xf32>
    %add3A_21 = arith.addf %mul3A_16, %add3A_20 : vector<1024x128xf32>
    %gt3A = arith.constant 0.000000e+00 : f32
    %gt3A_22 = vector.broadcast %gt3A : f32 to vector<1024x128xf32>
    %gt3A_23 = arith.cmpf ogt, %add3A_21, %gt3A_22 : vector<1024x128xf32>
    %exp3A = math.exp %add3A_21 : vector<1024x128xf32>
    %sub3A = arith.constant 1.000000e+00 : f32
    %sub3A_24 = vector.broadcast %sub3A : f32 to vector<1024x128xf32>
    %sub3A_25 = arith.subf %exp3A, %sub3A_24 : vector<1024x128xf32>
    %select_n3A = arith.select %gt3A_23, %add3A_21, %sub3A_25 : vector<1024x128xi1>, vector<1024x128xf32>
    %get3A_26 = arith.constant 0 : index
    %get3A_27 = arith.constant 0 : index
    %get3A_28 = vector.load %arg5[%get3A_26, %get3A_27] : memref<128x1xf32, #tpu.memory_space<vmem>>, vector<128x1xf32>
    %dot_general3A = arith.constant dense<0.000000e+00> : vector<1024x1xf32>
    %dot_general3A_29 = tpu.matmul %select_n3A, %get3A_28, %dot_general3A {dimension_numbers = #tpu.dot_dimension_numbers<[1], [0], [0], [1], [0, 0, 1, 1], [], []>, transpose_lhs_hint = false} : vector<1024x128xf32>, vector<128x1xf32>, vector<1024x1xf32> -> vector<1024x1xf32>
    %get3A_30 = arith.constant 0 : index
    %get3A_31 = arith.constant 0 : index
    %get3A_32 = vector.load %arg6[%get3A_30, %get3A_31] : memref<1x1xf32, #tpu.memory_space<vmem>>, vector<1x1xf32>
    %add3A_33 = vector.broadcast %get3A_32 : vector<1x1xf32> to vector<1024x1xf32>
    %add3A_34 = arith.addf %dot_general3A_29, %add3A_33 : vector<1024x1xf32>
    %swap3A = arith.constant 0 : index
    %swap3A_35 = arith.constant 0 : index
    %swap3A_36 = vector.load %arg7[%swap3A, %swap3A_35] : memref<1024x1xf32, #tpu.memory_space<vmem>>, vector<1024x1xf32>
    tpu.vector_store %arg7[%swap3A, %swap3A_35], %add3A_34 {strides = array<i32>} : memref<1024x1xf32, #tpu.memory_space<vmem>>, vector<1024x1xf32>,
    return
  }
  func.func @transform_0(%arg0: i32) -> (i32, i32, i32) {
    %c0_i32 = arith.constant 0 : i32
    %c0_i32_0 = arith.constant 0 : i32
    %c0_i32_1 = arith.constant 0 : i32
    return %c0_i32, %arg0, %c0_i32_0 : i32, i32, i32
  }
  func.func @transform_1(%arg0: i32) -> (i32, i32) {
    %c0_i32 = arith.constant 0 : i32
    %c0_i32_0 = arith.constant 0 : i32
    return %arg0, %c0_i32 : i32, i32
  }
  func.func @transform_2(%arg0: i32) -> (i32, i32) {
    %c0_i32 = arith.constant 0 : i32
    %c0_i32_0 = arith.constant 0 : i32
    return %arg0, %c0_i32 : i32, i32
  }
  func.func @transform_3(%arg0: i32) -> (i32, i32) {
    %c0_i32 = arith.constant 0 : i32
    %c0_i32_0 = arith.constant 0 : i32
    %c0_i32_1 = arith.constant 0 : i32
    return %c0_i32, %c0_i32_0 : i32, i32
  }
  func.func @transform_4(%arg0: i32) -> (i32, i32) {
    %c0_i32 = arith.constant 0 : i32
    %c0_i32_0 = arith.constant 0 : i32
    %c0_i32_1 = arith.constant 0 : i32
    return %c0_i32, %c0_i32_0 : i32, i32
  }
  func.func @transform_5(%arg0: i32) -> (i32, i32) {
    %c0_i32 = arith.constant 0 : i32
    %c0_i32_0 = arith.constant 0 : i32
    %c0_i32_1 = arith.constant 0 : i32
    return %c0_i32, %c0_i32_0 : i32, i32
  }
  func.func @transform_6(%arg0: i32) -> (i32, i32) {
    %c0_i32 = arith.constant 0 : i32
    %c0_i32_0 = arith.constant 0 : i32
    return %arg0, %c0_i32 : i32, i32
  }
}

</mosaic_0001>

<sc_bundles>
// kernel: kernel.14.cloned.1.call-start
scs
__scs_entry_jumppad:
0x0: {  	(pc) =	sbr.rel $0x88, $3  }
0x1: {  	(tag) =	ssettag $0x0;
	lr =	simm.s32 $0x1  }
0x2: {  	[smem:$0x3F93] =	sst lr;
	_ =	strace $0xD0000000  }
0x3: {  	_ = 	snop  }
0x4: {  	_ = 	snop  }
0x5: {  	_ = 	snop  }
0x6: {  	_ = 	snop  }
0x7: {  	_ = 	snop  }
__scs_overlays_trampoline_lowered:
0x8: {  	[smem:$0x3FA2] =	sst s0  }
0x9: {  	[smem:$0x3FA3] =	sst s1  }
0xa: {  	[smem:$0x3FA4] =	sst s2  }
0xb: {  	[smem:$0x3FA5] =	sst s3  }
0xc: {  	[smem:$0x3FA6] =	sst s4  }
0xd: {  	[smem:$0x3FA7] =	sst s5  }
0xe: {  	[smem:$0x3FA8] =	sst s6  }
0xf: {  	[smem:$0x3FA9] =	sst s7  }
0x10: {  	[smem:$0x3FAA] =	sst s8  }
0x11: {  	[smem:$0x3FAB] =	sst s9;
	s0 =	simm.s32 @!p0 $0x0  }
0x12: {  	s1 =	sld [smem:$0x3F91];
	s0 =	simm.s32 @p0 $0x1  }
0x13: {  	[smem:$0x3FAC] =	sst s0;
	s0 =	simm.s32 @!p1 $0x0  }
0x14: {  	s2 =	sld [smem:$0x3F90];
	s0 =	simm.s32 @p1 $0x1  }
0x15: {  	[smem:$0x3FAD] =	sst s0;
	s0 =	simm.s32 @!p2 $0x0  }
0x16: {  	s3 =	sld [smem:$0x3FDB];
	s0 =	simm.s32 @p2 $0x1  }
0x17: {  	s4 =	simm.s32 $0x1BF5;
	[smem:$0x3FAF] =	sst s0  }
0x18: {  	s0 =	sld [smem:$0x3F92];
	_ =	swait.ge [sflag:s4], $0x0  }
0x19: {  	s7 =	sld [smem:$0x3F93]  }
0x1a: {  	s8 =	sadd.s32 $0xFFFFE003, lr  }
0x1b: {  	s9 =	sadd.s32 $0xFFFFFEF7, lr;
	s5 =	simm.s32 $0xFFFFFFFF;
	p2 =	slt.u32 s8, $0xFFFFF086  }
0x1c: {  	p1 =	slt.u32 s9, $0xF7A;
	s5 =	simm.s32 @!p2 $0x0  }
0x1d: {  	s5 =	simm.s32 @p1 $0x1;
	p0 =	seq.s32 s7, s2  }
0x1e: {  	s7 =	smul.u32 @!p0 $0xF7A, s2;
	p2 =	seq.s32 @!p0 s5, $0x0  }
0x1f: {  	s9 =	smul.u32 $0xF7A, s1;
	s8 =	simm.s32 @!p0 $0x1BF5;
	p2 =	por !p2, p0  }
0x20: {  	[sflag:s8] =	ssyncset.s32 @!p0 $0xFFFFF086;
	s6 =	sadd.s32 @!p0 s3, s7;
	s7 =	simm.s32 @!p0 $0x108  }
0x21: {  	s3 =	sadd.s32 s3, s9;
	s6 =	sadd.s32 @!p0 $0x88, s6;
	s7 =	simm.s32 @p2 $0x1082  }
0x22: {  	[simem:s7], [sflag:s8] =	dma.local @!p0 [hbm:s6], $0xF7A  }
0x23: {  	s9 =	sor.u32 $0xD0000000, s2;
	s6 =	simm.s32 $0x108;
	_ =	swait.ge @!p0 [sflag:s8], $0x0  }
0x24: {  	s3 =	sadd.s32 $0x88, s3;
	s6 =	simm.s32 @!p1 $0x1082;
	[sflag:s4] =	ssyncset.s32 $0xFFFFF086  }
0x25: {  	[simem:s6], [sflag:s4] =	dma.local [hbm:s3], $0xF7A  }
0x26: {  	[smem:$0x3F93] =	sst s1;
	(tag) =	ssettag s2;
	_ =	strace s9  }
0x27: {  	s1 =	sld [smem:$0x3FA3]  }
0x28: {  	s2 =	sld [smem:$0x3FA4]  }
0x29: {  	s4 =	sld [smem:$0x3FA6]  }
0x2a: {  	p0 =	seq.s32 s5, $0x0;
	s5 =	sld [smem:$0x3FA7]  }
0x2b: {  	s6 =	sld [smem:$0x3FA8]  }
0x2c: {  	s7 =	sld [smem:$0x3FA9]  }
0x2d: {  	s3 =	simm.s32 $0x108;
	s8 =	sld [smem:$0x3FAA]  }
0x2e: {  	s3 =	simm.s32 @!p0 $0x1082;
	s9 =	sld [smem:$0x3FAB]  }
0x2f: {  	lr =	sadd.s32 s0, s3;
	s0 =	sld [smem:$0x3FA2]  }
0x30: {  	s3 =	sld [smem:$0x3FA5]  }
0x31: {  	[smem:$0x3FAE] =	sst s10  }
0x32: {  	s10 =	sld [smem:$0x3FAC];
	_ =	sdelay $0x3  }
0x33: {  	p0 =	seq.s32 s10, $0x1;
	s10 =	sld [smem:$0x3FAE];
	_ =	sdelay $0x3  }
0x34: {  	[smem:$0x3FAE] =	sst s10  }
0x35: {  	s10 =	sld [smem:$0x3FAD];
	_ =	sdelay $0x3  }
0x36: {  	p1 =	seq.s32 s10, $0x1;
	s10 =	sld [smem:$0x3FAE];
	_ =	sdelay $0x3  }
0x37: {  	[smem:$0x3FAE] =	sst s10  }
0x38: {  	s10 =	sld [smem:$0x3FAF]  }
0x39: {  	_ = 	snop;
	(pc) =	sbr.ind lr, $3  }
0x3a: {  	_ = 	snop  }
0x3b: {  	_ = 	snop  }
0x3c: {  	p2 =	seq.s32 s10, $0x1;
	s10 =	sld [smem:$0x3FAE]  }
0x3d: {  	_ =	shalt  }
0x3e: {  	_ =	shalt  }
0x3f: {  	_ =	shalt  }
0x40: {  	_ =	shalt  }
0x41: {  	_ =	shalt  }
0x42: {  	_ =	shalt  }
0x43: {  	_ =	shalt  }
0x44: {  	_ =	shalt  }
0x45: {  	_ =	shalt  }
0x46: {  	_ =	shalt  }
0x47: {  	_ =	shalt  }
0x48: {  	_ =	shalt  }
0x49: {  	_ =	shalt  }
0x4a: {  	_ =	shalt  }
0x4b: {  	_ =	shalt  }
0x4c: {  	_ =	shalt  }
0x4d: {  	_ =	shalt  }
0x4e: {  	_ =	shalt  }
0x4f: {  	_ =	shalt  }
0x50: {  	_ =	shalt  }
0x51: {  	_ =	shalt  }
0x52: {  	_ =	shalt  }
0x53: {  	_ =	shalt  }
0x54: {  	_ =	shalt  }
0x55: {  	_ =	shalt  }
0x56: {  	_ =	shalt  }
0x57: {  	_ =	shalt  }
0x58: {  	_ =	shalt  }
0x59: {  	_ =	shalt  }
0x5a: {  	_ =	shalt  }
0x5b: {  	_ =	shalt  }
0x5c: {  	_ =	shalt  }
0x5d: {  	_ =	shalt  }
0x5e: {  	_ =	shalt  }
0x5f: {  	_ =	shalt  }
0x60: {  	_ =	shalt  }
0x61: {  	_ =	shalt  }
0x62: {  	_ =	shalt  }
0x63: {  	_ =	shalt  }
0x64: {  	_ =	shalt  }
0x65: {  	_ =	shalt  }
0x66: {  	_ =	shalt  }
0x67: {  	_ =	shalt  }
0x68: {  	_ =	shalt  }
0x69: {  	_ =	shalt  }
0x6a: {  	_ =	shalt  }
0x6b: {  	_ =	shalt  }
0x6c: {  	_ =	shalt  }
0x6d: {  	_ =	shalt  }
0x6e: {  	_ =	shalt  }
0x6f: {  	_ =	shalt  }
0x70: {  	_ =	shalt  }
0x71: {  	_ =	shalt  }
0x72: {  	_ =	shalt  }
0x73: {  	_ =	shalt  }
0x74: {  	_ =	shalt  }
0x75: {  	_ =	shalt  }
0x76: {  	_ =	shalt  }
0x77: {  	_ =	shalt  }
0x78: {  	_ =	shalt  }
0x79: {  	_ =	shalt  }
0x7a: {  	_ =	shalt  }
0x7b: {  	_ =	shalt  }
0x7c: {  	_ =	shalt  }
0x7d: {  	_ =	shalt  }
0x7e: {  	_ =	shalt  }
0x7f: {  	_ =	shalt  }
0x80: {  	_ =	shalt  }
0x81: {  	_ =	shalt  }
0x82: {  	_ =	shalt  }
0x83: {  	_ =	shalt  }
0x84: {  	_ =	shalt  }
0x85: {  	_ =	shalt  }
0x86: {  	_ =	shalt  }
0x87: {  	_ =	shalt  }
.Lfunc_end0:
.L_simem_size_0:
called_computation_lowered:
.L_overlay_start_0:
0x88: {  	s2 =	sld [smem:$0x3FD9]  }
0x89: {  	s3 =	sld [smem:$0x3FFE];
	_ =	sdelay $0x1  }
0x8a: {  	s1 =	srdreg.scid  }
0x8b: {  	s0 =	sand.u32 $0x1, s1  }
0x8c: {  	s16 =	sshll.u32 s0, $0xA;
	s2 =	sadd.s32 s3, s2  }
0x8d: {  	s2 =	sadd.s32 s2, s16  }
0x8e: {  	[smem:$0x3FBA] =	sst s2  }
0x8f: {  	_ = 	snop  }
0x90: {  	(tm) =	ssettm $0x1  }
0x91: {  	s17 =	sld [smem:$0x3FFB];
	_ =	sdelay $0x3  }
0x92: {  	_ =	strace s17  }
0x93: {  	s2 =	sld [smem:$0x3FFC];
	_ =	sdelay $0x3  }
0x94: {  	_ =	strace s2  }
0x95: {  	s2 =	sld [smem:$0x3FFD];
	_ =	sdelay $0x3  }
0x96: {  	_ =	strace s2  }
0x97: {  	_ =	strace $0x8FFFFFFF  }
0x98: {  	s18 =	sld [smem:$0x3FDB];
	_ =	sdelay $0x1  }
0x99: {  	s19 =	simm.s32 $_scs_section_size  }
0x9a: {  	s4 =	simm.s32 $_size__tile_overlayer_lowered;
	s5 =	simm.s32 $_tile_overlayer_lowered  }
0x9b: {  	s22 =	simm.s32 $0x1BFF;
	s21 =	sshll.u32 s5, $0x1;
	s2 =	sadd.s32 s19, s18  }
0x9c: {  	s6 =	simm.s32 $0x0;
	s20 =	sshll.u32 s4, $0x1;
	s4 =	sadd.s32 s21, s2  }
0x9d: {  	[timem:s6], [sflag:s22] =	dma.local [hbm:s4], s20  }
0x9e: {  	_ =	swait.ge [sflag:s22], s20  }
0x9f: {  	s3 =	ssub.s32 $0x0, s20;
	[sflag:s22] =	ssyncset.done $0x0  }
0xa0: {  	[sflag:s22] =	ssyncadd.s32 s3;
	_ =	sdelay $0x1  }
0xa1: {  	s23 =	simm.s32 $0x1B8B  }
0xa2: {  	_ =	swait.ge [sflag:s23], $0x1  }
0xa3: {  	[sflag:s23] =	ssyncset.done $0x0  }
0xa4: {  	s25 =	simm.s32 $0x1B8E;
	s24 =	sld [smem:$0x3FFE];
	[sflag:s23] =	ssyncadd.s32 $0xFFFFFFFF  }
0xa5: {  	s26 =	simm.s32 $execute0_lowered;
	[smem:$0x3FD2] =	sst s25  }
0xa6: {  	s4 =	sshll.u32 s26, $0x1;
	_ =	strace $0x80000046;
	[dreg:$0x1] =	wrdreg $0xFFFFFFFF  }
0xa7: {  	s28 =	simm.s32 $_size_execute0_lowered;
	s2 =	sadd.s32 s2, s4;
	[dreg:$0x0] =	wrdreg $0x0  }
0xa8: {  	s4 =	sshll.u32 s28, $0x1;
	[dreg:$0x2] =	wrdreg s2  }
0xa9: {  	[dreg:$0x3] =	wrdreg s4  }
0xaa: {  	[dreg:$0x4] =	wrdreg $0xC0  }
0xab: {  	_ =	task [dreg:s6], $0x5FFFF  }
0xac: {  	[dreg:$0x1] =	wrdreg $0xFFFFFFFF  }
0xad: {  	[dreg:$0x0] =	wrdreg $0x60  }
0xae: {  	[dreg:$0x2] =	wrdreg s24  }
0xaf: {  	[dreg:$0x3] =	wrdreg $0x68000  }
0xb0: {  	[dreg:$0x4] =	wrdreg $0x9  }
0xb1: {  	_ =	task.clear_ibuf [dreg:s6], $0x5FFFF;
	_ =	strace $0x90000046  }
0xb2: {  	s29 =	simm.s32 $0x9;
	_ =	strace $0x80000048  }
0xb3: {  	_ =	swait.ge [sflag:s29], $0x1  }
0xb4: {  	[sflag:s29] =	ssyncadd.s32 $0xFFFFFFFF  }
0xb5: {  	_ =	strace $0x90000048  }
0xb6: {  	_ =	sfence  }
0xb7: {  	s30 =	sld [smem:$0x0];
	_ =	sdelay $0x2  }
0xb8: {  	s31 =	sshll.u32 s1, $0xD;
	s1 =	sshrl.u32 s1, $0x2  }
0xb9: {  	s3 =	sand.u32 $0x4000, s31;
	s1 =	sadd.s32 s1, s30  }
0xba: {  	s0 =	sor.u32 s3, s0;
	s1 =	sshll.u32 s1, $0x11  }
0xbb: {  	s0 =	sor.u32 s1, s0  }
0xbc: {  	s0 =	sadd.s32 $0x8F2B, s0  }
0xbd: {  	[sflag:s0] =	ssyncadd.remote.s32 $0x1  }
0xbe: {  	_ =	sfence.sel $0xFFFF  }
0xbf: {  	[dreg:$0x0] =	wrdreg $0xFFFFFFFF;
	(pc) =	sbr.abs _section_cstart, $3  }
0xc0: {  	[dreg:$0x1] =	wrdreg $0xFFFFFFFF  }
0xc1: {  	_ =	task.clear_ibuf [dreg:s6], $0x2FFFF;
	_ =	strace $0x9FFFFFFF  }
0xc2: {  	(tm) =	ssettm $0x7FFFFFFF  }
0xc3: {  	_ =	shalt  }
tec
execute0_lowered:
.L_overlay_start_1:
0x0: {  	(tag) =	ssettag $0x1  }
0x1: {  	s1 =	srdreg.scid  }
0x2: {  	s0 =	stileid.u32;
	s7 =	rddreg [dreg:$0x0]  }
0x3: {  	s2 =	rddreg [dreg:$0x1];
	s3 =	simm.s32 $0x0;
	s12 =	simm.s32 $0x3400  }
0x4: {  	s13 =	simm.s32 $0x64;
	s14 =	simm.s32 $0x0;
	s8 =	smul.u32 $0x14000, s0  }
0x5: {  	s6 =	sand.u32 $0x1, s1;
	s29 =	sshll.u32 s0, $0x1;
	s10 =	smul.u32 $0x50000, s0  }
0x6: {  	[smem:$0x7FF] =	sst s3;
	s1 =	sor.u32 s6, s29;
	s5 =	smul.u32 $0x140000, s6  }
0x7: {  	s31 =	sshll.u32 s0, $0x6;
	s6 =	ssub.s32 $0x2, s6;
	s4 =	smul.u32 $0x680, s1  }
0x8: {  	s1 =	rddreg [dreg:$0x2];
	_ =	strace $0x80000047;
	s30 =	sshrl.u32 s6, $0x1  }
0x9: {  	s10 =	sshrl.u32 s10, $0x2;
	s8 =	sadd.s32 s8, s5;
	s5 =	sadd.s32 $0x11400, s7  }
0xa: {  	s11 =	ssub.s32 s6, s30;
	s10 =	sadd.s32 s10, s2;
	s6 =	sor.u32 $0x1C01, s31  }
0xb: {  	s9 =	sadd.s32 s4, s7;
	s4 =	sadd.s32 $0x13C00, s7;
	s8 =	sshrl.u32 s8, $0x3  }
0xc: {  	s10 =	sshrl.u32 s10, $0x3;
	s8 =	sadd.s32 s8, s7;
	s7 =	sadd.s32 $0x4400, s9  }
0xd: {  	s9 =	smax.u32 s11, $0x1;
	s11 =	simm.s32 $0x1;
	s8 =	sadd.s32 $0x14400, s8  }
.LBB2_1:
0xe: {  	[spmem:s10], [sflag:s6] =	dma.local [hbm:s5], $0x2800  }
0xf: {  	_ =	swait.ge [sflag:s11], $0x2800  }
0x10: {  	[sflag:s11] =	ssyncset.done $0x0  }
0x11: {  	[sflag:s11] =	ssyncadd.s32 $0xFFFFD800  }
0x12: {  	[tilespmem:s3], [sflag:$0x1] =	stream.linear.gather [hbm4b:s7+s3], $0x3200, $0x38;
	[tilespmem:$0x1A800] =	vst v63  }
0x13: {  	_ =	swait.ge [sflag:s11], $0x3200  }
0x14: {  	[sflag:s11] =	ssyncset.done $0x0  }
0x15: {  	[sflag:s11] =	ssyncadd.s32 $0xFFFFCE00  }
0x16: {  	[tilespmem:s12], [sflag:$0x1] =	stream.linear.gather [hbm4b:s4+s3], $0x3200, $0x38;
	[tilespmem:$0x1A800] =	vst v63  }
0x17: {  	_ =	swait.ge [sflag:s11], $0x3200  }
0x18: {  	[sflag:s11] =	ssyncset.done $0x0  }
0x19: {  	[sflag:s11] =	ssyncadd.s32 $0xFFFFCE00  }
0x1a: {  	s15 =	simm.s32 $0x0;
	[bflag:$0x0] =	sbarrier.arrive $0xFFFF  }
0x1b: {  	[spmem:s2] =	stream.indirect.scatter.add.f32 [tilespmem:s12], [sflag:$0x1], $0x80, s15, s13, $0xb8;
	[tilespmem:$0x1A800] =	vst v63  }
0x1c: {  	_ =	swait.ge [sflag:s11], $0x3200  }
0x1d: {  	s15 =	simm.s32 $0x200;
	[sflag:s11] =	ssyncset.done $0x0  }
.LBB2_2:
0x1e: {  	s16 =	sshra.s32 s15, $0x2;
	[sflag:s11] =	ssyncadd.s32 $0xFFFFCE00;
	p0 =	sne.s32 s15, $0xC600  }
0x1f: {  	[spmem:s2] =	stream.indirect.scatter.add.f32 [tilespmem:s12], [sflag:$0x1], $0x80, s16, s13, $0xb8;
	[tilespmem:$0x1A800] =	vst v63  }
.Ltmp0:
0x20: {  	_ = 	snop;
	(pc) =	sbr.rel @p0 .LBB2_2-.Ltmp0, $4  }
0x21: {  	_ = 	snop  }
0x22: {  	s15 =	sadd.s32 $0x200, s15  }
0x23: {  	_ =	swait.ge [sflag:s11], $0x3200  }
0x24: {  	[sflag:s11] =	ssyncset.done $0x0  }
0x25: {  	s14 =	sadd.s32 $0x1, s14  }
0x26: {  	[sflag:s11] =	ssyncadd.s32 $0xFFFFCE00;
	p0 =	sne.s32 s14, s9  }
.Ltmp1:
0x27: {  	[bflag:$0x0] =	sbarrier.arrive $0xFFFF;
	(pc) =	sbr.rel @p0 .LBB2_1-.Ltmp1, $4  }
0x28: {  	[hbm:s8], [sflag:s6] =	dma.local [spmem:s10], $0x2800  }
0x29: {  	_ =	swait.ge [sflag:s11], $0x2800  }
0x2a: {  	[sflag:s11] =	ssyncset.done $0x0  }
0x2b: {  	[sflag:s11] =	ssyncadd.s32 $0xFFFFD800  }
0x2c: {  	_ =	sfence.sel $0x180000  }
0x2d: {  	[bflag:$0x0] =	sbarrier.arrive $0xFFFF  }
0x2e: {  	p0 =	sne.s32 s0, $0x0;
	_ =	strace $0x90000047  }
0x2f: {  	s0 =	sadd.s32 @!p0 $0x100000, s1;
	[bflag:$0x2] =	sbarrier.arrive $0xFFFF  }
0x30: {  	[sflag:s0] =	ssyncadd.tile.s32 @!p0 $0x1;
	_ =	shalt  }
.Lfunc_end2:
_tile_overlayer_lowered:
.L_overlay_start_2:
0x31: {  	(tag) =	ssettag $0x2  }
0x32: {  	s0 =	rddreg [dreg:$0x0];
	s2 =	stileid.u32  }
0x33: {  	s1 =	rddreg [dreg:$0x1];
	p0 =	sne.s32 s2, $0x0  }
0x34: {  	s3 =	rddreg [dreg:$0x2];
	[bflag:$0x3] =	sbarrier.arrive $0xFFFF;
	s2 =	simm.s32 @!p0 $0x1C01  }
0x35: {  	[timem:s3], [sflag:s2] =	dma.local @!p0 [hbm:s0], s1  }
0x36: {  	s0 =	simm.s32 @!p0 $0x1  }
0x37: {  	_ =	swait.ge @!p0 [sflag:s0], s1  }
0x38: {  	s1 =	ssub.s32 @!p0 $0x0, s1;
	[sflag:s0] =	ssyncset.done @!p0 $0x0  }
0x39: {  	[sflag:s0] =	ssyncadd.s32 @!p0 s1  }
0x3a: {  	[bflag:$0x3] =	sbarrier.arrive $0xFFFF  }
0x3b: {  	_ =	shalt  }

// kernel: kernel.17.cloned.1.call-start
scs
__scs_entry_jumppad:
0x0: {  	(pc) =	sbr.rel $0x88, $3  }
0x1: {  	(tag) =	ssettag $0x0;
	lr =	simm.s32 $0x1  }
0x2: {  	[smem:$0x3F93] =	sst lr;
	_ =	strace $0xD0000000  }
0x3: {  	_ = 	snop  }
0x4: {  	_ = 	snop  }
0x5: {  	_ = 	snop  }
0x6: {  	_ = 	snop  }
0x7: {  	_ = 	snop  }
__scs_overlays_trampoline_lowered:
0x8: {  	[smem:$0x3FA2] =	sst s0  }
0x9: {  	[smem:$0x3FA3] =	sst s1  }
0xa: {  	[smem:$0x3FA4] =	sst s2  }
0xb: {  	[smem:$0x3FA5] =	sst s3  }
0xc: {  	[smem:$0x3FA6] =	sst s4  }
0xd: {  	[smem:$0x3FA7] =	sst s5  }
0xe: {  	[smem:$0x3FA8] =	sst s6  }
0xf: {  	[smem:$0x3FA9] =	sst s7  }
0x10: {  	[smem:$0x3FAA] =	sst s8  }
0x11: {  	[smem:$0x3FAB] =	sst s9;
	s0 =	simm.s32 @!p0 $0x0  }
0x12: {  	s1 =	sld [smem:$0x3F91];
	s0 =	simm.s32 @p0 $0x1  }
0x13: {  	[smem:$0x3FAC] =	sst s0;
	s0 =	simm.s32 @!p1 $0x0  }
0x14: {  	s2 =	sld [smem:$0x3F90];
	s0 =	simm.s32 @p1 $0x1  }
0x15: {  	[smem:$0x3FAD] =	sst s0;
	s0 =	simm.s32 @!p2 $0x0  }
0x16: {  	s3 =	sld [smem:$0x3FDB];
	s0 =	simm.s32 @p2 $0x1  }
0x17: {  	s4 =	simm.s32 $0x1BF5;
	[smem:$0x3FAF] =	sst s0  }
0x18: {  	s0 =	sld [smem:$0x3F92];
	_ =	swait.ge [sflag:s4], $0x0  }
0x19: {  	s7 =	sld [smem:$0x3F93]  }
0x1a: {  	s8 =	sadd.s32 $0xFFFFE003, lr  }
0x1b: {  	s9 =	sadd.s32 $0xFFFFFEF7, lr;
	s5 =	simm.s32 $0xFFFFFFFF;
	p2 =	slt.u32 s8, $0xFFFFF086  }
0x1c: {  	p1 =	slt.u32 s9, $0xF7A;
	s5 =	simm.s32 @!p2 $0x0  }
0x1d: {  	s5 =	simm.s32 @p1 $0x1;
	p0 =	seq.s32 s7, s2  }
0x1e: {  	s7 =	smul.u32 @!p0 $0xF7A, s2;
	p2 =	seq.s32 @!p0 s5, $0x0  }
0x1f: {  	s9 =	smul.u32 $0xF7A, s1;
	s8 =	simm.s32 @!p0 $0x1BF5;
	p2 =	por !p2, p0  }
0x20: {  	[sflag:s8] =	ssyncset.s32 @!p0 $0xFFFFF086;
	s6 =	sadd.s32 @!p0 s3, s7;
	s7 =	simm.s32 @!p0 $0x108  }
0x21: {  	s3 =	sadd.s32 s3, s9;
	s6 =	sadd.s32 @!p0 $0x88, s6;
	s7 =	simm.s32 @p2 $0x1082  }
0x22: {  	[simem:s7], [sflag:s8] =	dma.local @!p0 [hbm:s6], $0xF7A  }
0x23: {  	s9 =	sor.u32 $0xD0000000, s2;
	s6 =	simm.s32 $0x108;
	_ =	swait.ge @!p0 [sflag:s8], $0x0  }
0x24: {  	s3 =	sadd.s32 $0x88, s3;
	s6 =	simm.s32 @!p1 $0x1082;
	[sflag:s4] =	ssyncset.s32 $0xFFFFF086  }
0x25: {  	[simem:s6], [sflag:s4] =	dma.local [hbm:s3], $0xF7A  }
0x26: {  	[smem:$0x3F93] =	sst s1;
	(tag) =	ssettag s2;
	_ =	strace s9  }
0x27: {  	s1 =	sld [smem:$0x3FA3]  }
0x28: {  	s2 =	sld [smem:$0x3FA4]  }
0x29: {  	s4 =	sld [smem:$0x3FA6]  }
0x2a: {  	p0 =	seq.s32 s5, $0x0;
	s5 =	sld [smem:$0x3FA7]  }
0x2b: {  	s6 =	sld [smem:$0x3FA8]  }
0x2c: {  	s7 =	sld [smem:$0x3FA9]  }
0x2d: {  	s3 =	simm.s32 $0x108;
	s8 =	sld [smem:$0x3FAA]  }
0x2e: {  	s3 =	simm.s32 @!p0 $0x1082;
	s9 =	sld [smem:$0x3FAB]  }
0x2f: {  	lr =	sadd.s32 s0, s3;
	s0 =	sld [smem:$0x3FA2]  }
0x30: {  	s3 =	sld [smem:$0x3FA5]  }
0x31: {  	[smem:$0x3FAE] =	sst s10  }
0x32: {  	s10 =	sld [smem:$0x3FAC];
	_ =	sdelay $0x3  }
0x33: {  	p0 =	seq.s32 s10, $0x1;
	s10 =	sld [smem:$0x3FAE];
	_ =	sdelay $0x3  }
0x34: {  	[smem:$0x3FAE] =	sst s10  }
0x35: {  	s10 =	sld [smem:$0x3FAD];
	_ =	sdelay $0x3  }
0x36: {  	p1 =	seq.s32 s10, $0x1;
	s10 =	sld [smem:$0x3FAE];
	_ =	sdelay $0x3  }
0x37: {  	[smem:$0x3FAE] =	sst s10  }
0x38: {  	s10 =	sld [smem:$0x3FAF]  }
0x39: {  	_ = 	snop;
	(pc) =	sbr.ind lr, $3  }
0x3a: {  	_ = 	snop  }
0x3b: {  	_ = 	snop  }
0x3c: {  	p2 =	seq.s32 s10, $0x1;
	s10 =	sld [smem:$0x3FAE]  }
0x3d: {  	_ =	shalt  }
0x3e: {  	_ =	shalt  }
0x3f: {  	_ =	shalt  }
0x40: {  	_ =	shalt  }
0x41: {  	_ =	shalt  }
0x42: {  	_ =	shalt  }
0x43: {  	_ =	shalt  }
0x44: {  	_ =	shalt  }
0x45: {  	_ =	shalt  }
0x46: {  	_ =	shalt  }
0x47: {  	_ =	shalt  }
0x48: {  	_ =	shalt  }
0x49: {  	_ =	shalt  }
0x4a: {  	_ =	shalt  }
0x4b: {  	_ =	shalt  }
0x4c: {  	_ =	shalt  }
0x4d: {  	_ =	shalt  }
0x4e: {  	_ =	shalt  }
0x4f: {  	_ =	shalt  }
0x50: {  	_ =	shalt  }
0x51: {  	_ =	shalt  }
0x52: {  	_ =	shalt  }
0x53: {  	_ =	shalt  }
0x54: {  	_ =	shalt  }
0x55: {  	_ =	shalt  }
0x56: {  	_ =	shalt  }
0x57: {  	_ =	shalt  }
0x58: {  	_ =	shalt  }
0x59: {  	_ =	shalt  }
0x5a: {  	_ =	shalt  }
0x5b: {  	_ =	shalt  }
0x5c: {  	_ =	shalt  }
0x5d: {  	_ =	shalt  }
0x5e: {  	_ =	shalt  }
0x5f: {  	_ =	shalt  }
0x60: {  	_ =	shalt  }
0x61: {  	_ =	shalt  }
0x62: {  	_ =	shalt  }
0x63: {  	_ =	shalt  }
0x64: {  	_ =	shalt  }
0x65: {  	_ =	shalt  }
0x66: {  	_ =	shalt  }
0x67: {  	_ =	shalt  }
0x68: {  	_ =	shalt  }
0x69: {  	_ =	shalt  }
0x6a: {  	_ =	shalt  }
0x6b: {  	_ =	shalt  }
0x6c: {  	_ =	shalt  }
0x6d: {  	_ =	shalt  }
0x6e: {  	_ =	shalt  }
0x6f: {  	_ =	shalt  }
0x70: {  	_ =	shalt  }
0x71: {  	_ =	shalt  }
0x72: {  	_ =	shalt  }
0x73: {  	_ =	shalt  }
0x74: {  	_ =	shalt  }
0x75: {  	_ =	shalt  }
0x76: {  	_ =	shalt  }
0x77: {  	_ =	shalt  }
0x78: {  	_ =	shalt  }
0x79: {  	_ =	shalt  }
0x7a: {  	_ =	shalt  }
0x7b: {  	_ =	shalt  }
0x7c: {  	_ =	shalt  }
0x7d: {  	_ =	shalt  }
0x7e: {  	_ =	shalt  }
0x7f: {  	_ =	shalt  }
0x80: {  	_ =	shalt  }
0x81: {  	_ =	shalt  }
0x82: {  	_ =	shalt  }
0x83: {  	_ =	shalt  }
0x84: {  	_ =	shalt  }
0x85: {  	_ =	shalt  }
0x86: {  	_ =	shalt  }
0x87: {  	_ =	shalt  }
.Lfunc_end0:
.L_simem_size_0:
called_computation.1_lowered:
.L_overlay_start_0:
0x88: {  	s2 =	sld [smem:$0x3FD9]  }
0x89: {  	s3 =	sld [smem:$0x3FFE];
	_ =	sdelay $0x1  }
0x8a: {  	s1 =	srdreg.scid  }
0x8b: {  	s0 =	sand.u32 $0x1, s1  }
0x8c: {  	s16 =	sshll.u32 s0, $0xA;
	s2 =	sadd.s32 s3, s2  }
0x8d: {  	s2 =	sadd.s32 s2, s16  }
0x8e: {  	[smem:$0x3FBA] =	sst s2  }
0x8f: {  	_ = 	snop  }
0x90: {  	(tm) =	ssettm $0x1  }
0x91: {  	s17 =	sld [smem:$0x3FFB];
	_ =	sdelay $0x3  }
0x92: {  	_ =	strace s17  }
0x93: {  	s2 =	sld [smem:$0x3FFC];
	_ =	sdelay $0x3  }
0x94: {  	_ =	strace s2  }
0x95: {  	s2 =	sld [smem:$0x3FFD];
	_ =	sdelay $0x3  }
0x96: {  	_ =	strace s2  }
0x97: {  	_ =	strace $0x8FFFFFFF  }
0x98: {  	s18 =	sld [smem:$0x3FDB];
	_ =	sdelay $0x1  }
0x99: {  	s19 =	simm.s32 $_scs_section_size  }
0x9a: {  	s4 =	simm.s32 $_size__tile_overlayer_lowered;
	s5 =	simm.s32 $_tile_overlayer_lowered  }
0x9b: {  	s22 =	simm.s32 $0x1BFF;
	s21 =	sshll.u32 s5, $0x1;
	s2 =	sadd.s32 s19, s18  }
0x9c: {  	s6 =	simm.s32 $0x0;
	s20 =	sshll.u32 s4, $0x1;
	s4 =	sadd.s32 s21, s2  }
0x9d: {  	[timem:s6], [sflag:s22] =	dma.local [hbm:s4], s20  }
0x9e: {  	_ =	swait.ge [sflag:s22], s20  }
0x9f: {  	s3 =	ssub.s32 $0x0, s20;
	[sflag:s22] =	ssyncset.done $0x0  }
0xa0: {  	[sflag:s22] =	ssyncadd.s32 s3;
	_ =	sdelay $0x1  }
0xa1: {  	s23 =	simm.s32 $0x1B8B  }
0xa2: {  	_ =	swait.ge [sflag:s23], $0x1  }
0xa3: {  	[sflag:s23] =	ssyncset.done $0x0  }
0xa4: {  	s25 =	simm.s32 $0x1B8E;
	s24 =	sld [smem:$0x3FFE];
	[sflag:s23] =	ssyncadd.s32 $0xFFFFFFFF  }
0xa5: {  	s26 =	simm.s32 $execute0_lowered;
	[smem:$0x3FD2] =	sst s25  }
0xa6: {  	s4 =	sshll.u32 s26, $0x1;
	_ =	strace $0x80000049;
	[dreg:$0x1] =	wrdreg $0xFFFFFFFF  }
0xa7: {  	s28 =	simm.s32 $_size_execute0_lowered;
	s2 =	sadd.s32 s2, s4;
	[dreg:$0x0] =	wrdreg $0x0  }
0xa8: {  	s4 =	sshll.u32 s28, $0x1;
	[dreg:$0x2] =	wrdreg s2  }
0xa9: {  	[dreg:$0x3] =	wrdreg s4  }
0xaa: {  	[dreg:$0x4] =	wrdreg $0xC0  }
0xab: {  	_ =	task [dreg:s6], $0x5FFFF  }
0xac: {  	[dreg:$0x1] =	wrdreg $0xFFFFFFFF  }
0xad: {  	[dreg:$0x0] =	wrdreg $0x60  }
0xae: {  	[dreg:$0x2] =	wrdreg s24  }
0xaf: {  	[dreg:$0x3] =	wrdreg $0x9C000  }
0xb0: {  	[dreg:$0x4] =	wrdreg $0x9  }
0xb1: {  	_ =	task.clear_ibuf [dreg:s6], $0x5FFFF;
	_ =	strace $0x90000049  }
0xb2: {  	s29 =	simm.s32 $0x9;
	_ =	strace $0x8000004B  }
0xb3: {  	_ =	swait.ge [sflag:s29], $0x1  }
0xb4: {  	[sflag:s29] =	ssyncadd.s32 $0xFFFFFFFF  }
0xb5: {  	_ =	strace $0x9000004B  }
0xb6: {  	_ =	sfence  }
0xb7: {  	s30 =	sld [smem:$0x0];
	_ =	sdelay $0x2  }
0xb8: {  	s31 =	sshll.u32 s1, $0xD;
	s1 =	sshrl.u32 s1, $0x2  }
0xb9: {  	s3 =	sand.u32 $0x4000, s31;
	s1 =	sadd.s32 s1, s30  }
0xba: {  	s0 =	sor.u32 s3, s0;
	s1 =	sshll.u32 s1, $0x11  }
0xbb: {  	s0 =	sor.u32 s1, s0  }
0xbc: {  	s0 =	sadd.s32 $0x8F2B, s0  }
0xbd: {  	[sflag:s0] =	ssyncadd.remote.s32 $0x1  }
0xbe: {  	_ =	sfence.sel $0xFFFF  }
0xbf: {  	[dreg:$0x0] =	wrdreg $0xFFFFFFFF;
	(pc) =	sbr.abs _section_cstart, $3  }
0xc0: {  	[dreg:$0x1] =	wrdreg $0xFFFFFFFF  }
0xc1: {  	_ =	task.clear_ibuf [dreg:s6], $0x2FFFF;
	_ =	strace $0x9FFFFFFF  }
0xc2: {  	(tm) =	ssettm $0x7FFFFFFF  }
0xc3: {  	_ =	shalt  }
tec
execute0_lowered:
.L_overlay_start_1:
0x0: {  	(tag) =	ssettag $0x1  }
0x1: {  	s1 =	srdreg.scid  }
0x2: {  	s0 =	stileid.u32;
	s6 =	rddreg [dreg:$0x0]  }
0x3: {  	s2 =	rddreg [dreg:$0x1];
	s3 =	simm.s32 $0x0;
	s14 =	simm.s32 $0x64  }
0x4: {  	s15 =	simm.s32 $0x6800;
	s16 =	simm.s32 $0x1;
	s17 =	simm.s32 $0x0  }
0x5: {  	s5 =	sand.u32 $0x1, s1;
	s29 =	sshll.u32 s0, $0x1;
	s9 =	smul.u32 $0x14000, s0  }
0x6: {  	[smem:$0x7FF] =	sst s3;
	s4 =	sadd.s32 $0x13C00, s6;
	s11 =	smul.u32 $0x50000, s0  }
0x7: {  	s12 =	sshll.u32 s0, $0x6;
	s1 =	sor.u32 s5, s29;
	s8 =	smul.u32 $0x140000, s5  }
0x8: {  	s30 =	ssub.s32 $0x2, s5;
	s5 =	sadd.s32 $0x11400, s6;
	s12 =	sor.u32 $0x1C02, s12  }
0x9: {  	s7 =	smul.u32 $0x680, s1;
	s1 =	rddreg [dreg:$0x2];
	_ =	strace $0x8000004A  }
0xa: {  	s10 =	sshrl.u32 s30, $0x1;
	s31 =	sshrl.u32 s11, $0x2;
	s11 =	simm.s32 $0x3400  }
0xb: {  	s8 =	sadd.s32 s9, s8;
	s9 =	ssub.s32 s30, s10;
	s13 =	sadd.s32 s31, s2  }
0xc: {  	s10 =	simm.s32 $0x2;
	s7 =	sadd.s32 s7, s6;
	s8 =	sshrl.u32 s8, $0x3  }
0xd: {  	s9 =	smax.u32 s9, $0x1;
	s13 =	sshrl.u32 s13, $0x3;
	s8 =	sadd.s32 s8, s6  }
0xe: {  	s6 =	sadd.s32 $0x64400, s7;
	s7 =	sadd.s32 $0x4400, s7;
	s8 =	sadd.s32 $0x71400, s8  }
.LBB2_1:
0xf: {  	[tilespmem:s3], [sflag:$0x2] =	stream.linear.gather [hbm4b:s6+s3], $0x3200, $0x38;
	[tilespmem:$0x1DC00] =	vst v63  }
0x10: {  	_ =	swait.ge [sflag:s10], $0x3200  }
0x11: {  	[sflag:s10] =	ssyncset.done $0x0  }
0x12: {  	[sflag:s10] =	ssyncadd.s32 $0xFFFFCE00  }
0x13: {  	[tilespmem:s11], [sflag:$0x2] =	stream.linear.gather [hbm4b:s7+s3], $0x3200, $0x38;
	[tilespmem:$0x1DC00] =	vst v63  }
0x14: {  	_ =	swait.ge [sflag:s10], $0x3200  }
0x15: {  	[sflag:s10] =	ssyncset.done $0x0  }
0x16: {  	[sflag:s10] =	ssyncadd.s32 $0xFFFFCE00  }
0x17: {  	[spmem:s13], [sflag:s12] =	dma.local [hbm:s5], $0x2800  }
0x18: {  	_ =	swait.ge [sflag:s10], $0x2800  }
0x19: {  	[sflag:s10] =	ssyncset.done $0x0  }
0x1a: {  	[sflag:s10] =	ssyncadd.s32 $0xFFFFD800  }
0x1b: {  	s18 =	simm.s32 $0x0;
	[bflag:$0x0] =	sbarrier.arrive $0xFFFF  }
0x1c: {  	[tilespmem:s15], [sflag:$0x1] =	stream.indirect.gather [hbm4b:s4+s14], $0x80, s18, s14, $0xb8;
	[tilespmem:$0x1DC00] =	vst v63  }
0x1d: {  	_ =	swait.ge [sflag:s16], $0x3200  }
0x1e: {  	[sflag:s16] =	ssyncset.done $0x0  }
0x1f: {  	s31 =	simm.s32 $0x3400;
	[sflag:s16] =	ssyncadd.s32 $0xFFFFCE00  }
0x20: {  	[spmem:s2] =	stream.indirect.scatter.add.f32 [tilespmem:s15], [sflag:$0x2], $0x80, s31, s14, $0xb8;
	[tilespmem:$0x1DC00] =	vst v63  }
0x21: {  	_ =	swait.ge [sflag:s10], $0x3200  }
0x22: {  	s19 =	simm.s32 $0x400;
	s18 =	simm.s32 $0x200;
	[sflag:s10] =	ssyncset.done $0x0  }
.LBB2_2:
0x23: {  	s20 =	sshra.s32 s18, $0x2  }
0x24: {  	[sflag:s10] =	ssyncadd.s32 $0xFFFFCE00;
	s18 =	smov.u32 s19;
	s21 =	sadd.s32 $0x200, s19  }
0x25: {  	[tilespmem:s15], [sflag:$0x1] =	stream.indirect.gather [hbm4b:s4+s14], $0x80, s20, s14, $0xb8;
	[tilespmem:$0x1DC00] =	vst v63  }
0x26: {  	p0 =	sne.s32 s19, $0xC600;
	_ =	swait.ge [sflag:s16], $0x3200  }
.Ltmp0:
0x27: {  	[sflag:s16] =	ssyncset.done $0x0;
	(pc) =	sbr.rel @p0 .LBB2_2-.Ltmp0, $4  }
0x28: {  	s19 =	sadd.s32 $0x3400, s20;
	[sflag:s16] =	ssyncadd.s32 $0xFFFFCE00  }
0x29: {  	[spmem:s2] =	stream.indirect.scatter.add.f32 [tilespmem:s15], [sflag:$0x2], $0x80, s19, s14, $0xb8;
	[tilespmem:$0x1DC00] =	vst v63  }
0x2a: {  	_ =	swait.ge [sflag:s10], $0x3200  }
0x2b: {  	s19 =	smov.u32 s21;
	[sflag:s10] =	ssyncset.done $0x0  }
0x2c: {  	s18 =	sshra.s32 s18, $0x2;
	[sflag:s10] =	ssyncadd.s32 $0xFFFFCE00  }
0x2d: {  	[tilespmem:s15], [sflag:$0x1] =	stream.indirect.gather [hbm4b:s4+s14], $0x80, s18, s14, $0xb8;
	[tilespmem:$0x1DC00] =	vst v63  }
0x2e: {  	_ =	swait.ge [sflag:s16], $0x3200  }
0x2f: {  	[sflag:s16] =	ssyncset.done $0x0  }
0x30: {  	s18 =	sadd.s32 $0x3400, s18;
	[sflag:s16] =	ssyncadd.s32 $0xFFFFCE00  }
0x31: {  	[spmem:s2] =	stream.indirect.scatter.add.f32 [tilespmem:s15], [sflag:$0x2], $0x80, s18, s14, $0xb8;
	[tilespmem:$0x1DC00] =	vst v63  }
0x32: {  	_ =	swait.ge [sflag:s10], $0x3200  }
0x33: {  	s17 =	sadd.s32 $0x1, s17;
	[sflag:s10] =	ssyncset.done $0x0  }
0x34: {  	p0 =	sne.s32 s17, s9;
	[sflag:s10] =	ssyncadd.s32 $0xFFFFCE00  }
.Ltmp1:
0x35: {  	[bflag:$0x0] =	sbarrier.arrive $0xFFFF;
	(pc) =	sbr.rel @p0 .LBB2_1-.Ltmp1, $4  }
0x36: {  	[hbm:s8], [sflag:s12] =	dma.local [spmem:s13], $0x2800  }
0x37: {  	_ =	swait.ge [sflag:s10], $0x2800  }
0x38: {  	[sflag:s10] =	ssyncset.done $0x0  }
0x39: {  	[sflag:s10] =	ssyncadd.s32 $0xFFFFD800  }
0x3a: {  	_ =	sfence.sel $0x180000  }
0x3b: {  	[bflag:$0x0] =	sbarrier.arrive $0xFFFF  }
0x3c: {  	p0 =	sne.s32 s0, $0x0;
	_ =	strace $0x9000004A  }
0x3d: {  	s0 =	sadd.s32 @!p0 $0x100000, s1;
	[bflag:$0x2] =	sbarrier.arrive $0xFFFF  }
0x3e: {  	[sflag:s0] =	ssyncadd.tile.s32 @!p0 $0x1;
	_ =	shalt  }
.Lfunc_end2:
_tile_overlayer_lowered:
.L_overlay_start_2:
0x3f: {  	(tag) =	ssettag $0x2  }
0x40: {  	s0 =	rddreg [dreg:$0x0];
	s2 =	stileid.u32  }
0x41: {  	s1 =	rddreg [dreg:$0x1];
	p0 =	sne.s32 s2, $0x0  }
0x42: {  	s3 =	rddreg [dreg:$0x2];
	[bflag:$0x3] =	sbarrier.arrive $0xFFFF;
	s2 =	simm.s32 @!p0 $0x1C02  }
0x43: {  	[timem:s3], [sflag:s2] =	dma.local @!p0 [hbm:s0], s1  }
0x44: {  	s0 =	simm.s32 @!p0 $0x2  }
0x45: {  	_ =	swait.ge @!p0 [sflag:s0], s1  }
0x46: {  	s1 =	ssub.s32 @!p0 $0x0, s1;
	[sflag:s0] =	ssyncset.done @!p0 $0x0  }
0x47: {  	[sflag:s0] =	ssyncadd.s32 @!p0 s1  }
0x48: {  	[bflag:$0x3] =	sbarrier.arrive $0xFFFF  }
0x49: {  	_ =	shalt  }

// kernel: kernel.20.cloned.1.call-start
scs
__scs_entry_jumppad:
0x0: {  	(pc) =	sbr.rel $0x88, $3  }
0x1: {  	(tag) =	ssettag $0x0;
	lr =	simm.s32 $0x1  }
0x2: {  	[smem:$0x3F93] =	sst lr;
	_ =	strace $0xD0000000  }
0x3: {  	_ = 	snop  }
0x4: {  	_ = 	snop  }
0x5: {  	_ = 	snop  }
0x6: {  	_ = 	snop  }
0x7: {  	_ = 	snop  }
__scs_overlays_trampoline_lowered:
0x8: {  	[smem:$0x3FA2] =	sst s0  }
0x9: {  	[smem:$0x3FA3] =	sst s1  }
0xa: {  	[smem:$0x3FA4] =	sst s2  }
0xb: {  	[smem:$0x3FA5] =	sst s3  }
0xc: {  	[smem:$0x3FA6] =	sst s4  }
0xd: {  	[smem:$0x3FA7] =	sst s5  }
0xe: {  	[smem:$0x3FA8] =	sst s6  }
0xf: {  	[smem:$0x3FA9] =	sst s7  }
0x10: {  	[smem:$0x3FAA] =	sst s8  }
0x11: {  	[smem:$0x3FAB] =	sst s9;
	s0 =	simm.s32 @!p0 $0x0  }
0x12: {  	s1 =	sld [smem:$0x3F91];
	s0 =	simm.s32 @p0 $0x1  }
0x13: {  	[smem:$0x3FAC] =	sst s0;
	s0 =	simm.s32 @!p1 $0x0  }
0x14: {  	s2 =	sld [smem:$0x3F90];
	s0 =	simm.s32 @p1 $0x1  }
0x15: {  	[smem:$0x3FAD] =	sst s0;
	s0 =	simm.s32 @!p2 $0x0  }
0x16: {  	s3 =	sld [smem:$0x3FDB];
	s0 =	simm.s32 @p2 $0x1  }
0x17: {  	s4 =	simm.s32 $0x1BF5;
	[smem:$0x3FAF] =	sst s0  }
0x18: {  	s0 =	sld [smem:$0x3F92];
	_ =	swait.ge [sflag:s4], $0x0  }
0x19: {  	s7 =	sld [smem:$0x3F93]  }
0x1a: {  	s8 =	sadd.s32 $0xFFFFE003, lr  }
0x1b: {  	s9 =	sadd.s32 $0xFFFFFEF7, lr;
	s5 =	simm.s32 $0xFFFFFFFF;
	p2 =	slt.u32 s8, $0xFFFFF086  }
0x1c: {  	p1 =	slt.u32 s9, $0xF7A;
	s5 =	simm.s32 @!p2 $0x0  }
0x1d: {  	s5 =	simm.s32 @p1 $0x1;
	p0 =	seq.s32 s7, s2  }
0x1e: {  	s7 =	smul.u32 @!p0 $0xF7A, s2;
	p2 =	seq.s32 @!p0 s5, $0x0  }
0x1f: {  	s9 =	smul.u32 $0xF7A, s1;
	s8 =	simm.s32 @!p0 $0x1BF5;
	p2 =	por !p2, p0  }
0x20: {  	[sflag:s8] =	ssyncset.s32 @!p0 $0xFFFFF086;
	s6 =	sadd.s32 @!p0 s3, s7;
	s7 =	simm.s32 @!p0 $0x108  }
0x21: {  	s3 =	sadd.s32 s3, s9;
	s6 =	sadd.s32 @!p0 $0x88, s6;
	s7 =	simm.s32 @p2 $0x1082  }
0x22: {  	[simem:s7], [sflag:s8] =	dma.local @!p0 [hbm:s6], $0xF7A  }
0x23: {  	s9 =	sor.u32 $0xD0000000, s2;
	s6 =	simm.s32 $0x108;
	_ =	swait.ge @!p0 [sflag:s8], $0x0  }
0x24: {  	s3 =	sadd.s32 $0x88, s3;
	s6 =	simm.s32 @!p1 $0x1082;
	[sflag:s4] =	ssyncset.s32 $0xFFFFF086  }
0x25: {  	[simem:s6], [sflag:s4] =	dma.local [hbm:s3], $0xF7A  }
0x26: {  	[smem:$0x3F93] =	sst s1;
	(tag) =	ssettag s2;
	_ =	strace s9  }
0x27: {  	s1 =	sld [smem:$0x3FA3]  }
0x28: {  	s2 =	sld [smem:$0x3FA4]  }
0x29: {  	s4 =	sld [smem:$0x3FA6]  }
0x2a: {  	p0 =	seq.s32 s5, $0x0;
	s5 =	sld [smem:$0x3FA7]  }
0x2b: {  	s6 =	sld [smem:$0x3FA8]  }
0x2c: {  	s7 =	sld [smem:$0x3FA9]  }
0x2d: {  	s3 =	simm.s32 $0x108;
	s8 =	sld [smem:$0x3FAA]  }
0x2e: {  	s3 =	simm.s32 @!p0 $0x1082;
	s9 =	sld [smem:$0x3FAB]  }
0x2f: {  	lr =	sadd.s32 s0, s3;
	s0 =	sld [smem:$0x3FA2]  }
0x30: {  	s3 =	sld [smem:$0x3FA5]  }
0x31: {  	[smem:$0x3FAE] =	sst s10  }
0x32: {  	s10 =	sld [smem:$0x3FAC];
	_ =	sdelay $0x3  }
0x33: {  	p0 =	seq.s32 s10, $0x1;
	s10 =	sld [smem:$0x3FAE];
	_ =	sdelay $0x3  }
0x34: {  	[smem:$0x3FAE] =	sst s10  }
0x35: {  	s10 =	sld [smem:$0x3FAD];
	_ =	sdelay $0x3  }
0x36: {  	p1 =	seq.s32 s10, $0x1;
	s10 =	sld [smem:$0x3FAE];
	_ =	sdelay $0x3  }
0x37: {  	[smem:$0x3FAE] =	sst s10  }
0x38: {  	s10 =	sld [smem:$0x3FAF]  }
0x39: {  	_ = 	snop;
	(pc) =	sbr.ind lr, $3  }
0x3a: {  	_ = 	snop  }
0x3b: {  	_ = 	snop  }
0x3c: {  	p2 =	seq.s32 s10, $0x1;
	s10 =	sld [smem:$0x3FAE]  }
0x3d: {  	_ =	shalt  }
0x3e: {  	_ =	shalt  }
0x3f: {  	_ =	shalt  }
0x40: {  	_ =	shalt  }
0x41: {  	_ =	shalt  }
0x42: {  	_ =	shalt  }
0x43: {  	_ =	shalt  }
0x44: {  	_ =	shalt  }
0x45: {  	_ =	shalt  }
0x46: {  	_ =	shalt  }
0x47: {  	_ =	shalt  }
0x48: {  	_ =	shalt  }
0x49: {  	_ =	shalt  }
0x4a: {  	_ =	shalt  }
0x4b: {  	_ =	shalt  }
0x4c: {  	_ =	shalt  }
0x4d: {  	_ =	shalt  }
0x4e: {  	_ =	shalt  }
0x4f: {  	_ =	shalt  }
0x50: {  	_ =	shalt  }
0x51: {  	_ =	shalt  }
0x52: {  	_ =	shalt  }
0x53: {  	_ =	shalt  }
0x54: {  	_ =	shalt  }
0x55: {  	_ =	shalt  }
0x56: {  	_ =	shalt  }
0x57: {  	_ =	shalt  }
0x58: {  	_ =	shalt  }
0x59: {  	_ =	shalt  }
0x5a: {  	_ =	shalt  }
0x5b: {  	_ =	shalt  }
0x5c: {  	_ =	shalt  }
0x5d: {  	_ =	shalt  }
0x5e: {  	_ =	shalt  }
0x5f: {  	_ =	shalt  }
0x60: {  	_ =	shalt  }
0x61: {  	_ =	shalt  }
0x62: {  	_ =	shalt  }
0x63: {  	_ =	shalt  }
0x64: {  	_ =	shalt  }
0x65: {  	_ =	shalt  }
0x66: {  	_ =	shalt  }
0x67: {  	_ =	shalt  }
0x68: {  	_ =	shalt  }
0x69: {  	_ =	shalt  }
0x6a: {  	_ =	shalt  }
0x6b: {  	_ =	shalt  }
0x6c: {  	_ =	shalt  }
0x6d: {  	_ =	shalt  }
0x6e: {  	_ =	shalt  }
0x6f: {  	_ =	shalt  }
0x70: {  	_ =	shalt  }
0x71: {  	_ =	shalt  }
0x72: {  	_ =	shalt  }
0x73: {  	_ =	shalt  }
0x74: {  	_ =	shalt  }
0x75: {  	_ =	shalt  }
0x76: {  	_ =	shalt  }
0x77: {  	_ =	shalt  }
0x78: {  	_ =	shalt  }
0x79: {  	_ =	shalt  }
0x7a: {  	_ =	shalt  }
0x7b: {  	_ =	shalt  }
0x7c: {  	_ =	shalt  }
0x7d: {  	_ =	shalt  }
0x7e: {  	_ =	shalt  }
0x7f: {  	_ =	shalt  }
0x80: {  	_ =	shalt  }
0x81: {  	_ =	shalt  }
0x82: {  	_ =	shalt  }
0x83: {  	_ =	shalt  }
0x84: {  	_ =	shalt  }
0x85: {  	_ =	shalt  }
0x86: {  	_ =	shalt  }
0x87: {  	_ =	shalt  }
.Lfunc_end0:
.L_simem_size_0:
called_computation.2_lowered:
.L_overlay_start_0:
0x88: {  	s2 =	sld [smem:$0x3FD9]  }
0x89: {  	s3 =	sld [smem:$0x3FFE];
	_ =	sdelay $0x1  }
0x8a: {  	s1 =	srdreg.scid  }
0x8b: {  	s0 =	sand.u32 $0x1, s1  }
0x8c: {  	s16 =	sshll.u32 s0, $0xA;
	s2 =	sadd.s32 s3, s2  }
0x8d: {  	s2 =	sadd.s32 s2, s16  }
0x8e: {  	[smem:$0x3FBA] =	sst s2  }
0x8f: {  	_ = 	snop  }
0x90: {  	(tm) =	ssettm $0x1  }
0x91: {  	s17 =	sld [smem:$0x3FFB];
	_ =	sdelay $0x3  }
0x92: {  	_ =	strace s17  }
0x93: {  	s2 =	sld [smem:$0x3FFC];
	_ =	sdelay $0x3  }
0x94: {  	_ =	strace s2  }
0x95: {  	s2 =	sld [smem:$0x3FFD];
	_ =	sdelay $0x3  }
0x96: {  	_ =	strace s2  }
0x97: {  	_ =	strace $0x8FFFFFFF  }
0x98: {  	s18 =	sld [smem:$0x3FDB];
	_ =	sdelay $0x1  }
0x99: {  	s19 =	simm.s32 $_scs_section_size  }
0x9a: {  	s4 =	simm.s32 $_size__tile_overlayer_lowered;
	s5 =	simm.s32 $_tile_overlayer_lowered  }
0x9b: {  	s22 =	simm.s32 $0x1BFF;
	s21 =	sshll.u32 s5, $0x1;
	s2 =	sadd.s32 s19, s18  }
0x9c: {  	s6 =	simm.s32 $0x0;
	s20 =	sshll.u32 s4, $0x1;
	s4 =	sadd.s32 s21, s2  }
0x9d: {  	[timem:s6], [sflag:s22] =	dma.local [hbm:s4], s20  }
0x9e: {  	_ =	swait.ge [sflag:s22], s20  }
0x9f: {  	s3 =	ssub.s32 $0x0, s20;
	[sflag:s22] =	ssyncset.done $0x0  }
0xa0: {  	[sflag:s22] =	ssyncadd.s32 s3;
	_ =	sdelay $0x1  }
0xa1: {  	s23 =	simm.s32 $0x1B8B  }
0xa2: {  	_ =	swait.ge [sflag:s23], $0x1  }
0xa3: {  	[sflag:s23] =	ssyncset.done $0x0  }
0xa4: {  	s25 =	simm.s32 $0x1B8E;
	s24 =	sld [smem:$0x3FFE];
	[sflag:s23] =	ssyncadd.s32 $0xFFFFFFFF  }
0xa5: {  	s26 =	simm.s32 $execute0_lowered;
	[smem:$0x3FD2] =	sst s25  }
0xa6: {  	s4 =	sshll.u32 s26, $0x1;
	_ =	strace $0x8000004C;
	[dreg:$0x1] =	wrdreg $0xFFFFFFFF  }
0xa7: {  	s28 =	simm.s32 $_size_execute0_lowered;
	s2 =	sadd.s32 s2, s4;
	[dreg:$0x0] =	wrdreg $0x0  }
0xa8: {  	s4 =	sshll.u32 s28, $0x1;
	[dreg:$0x2] =	wrdreg s2  }
0xa9: {  	[dreg:$0x3] =	wrdreg s4  }
0xaa: {  	[dreg:$0x4] =	wrdreg $0xC0  }
0xab: {  	_ =	task [dreg:s6], $0x5FFFF  }
0xac: {  	[dreg:$0x1] =	wrdreg $0xFFFFFFFF  }
0xad: {  	[dreg:$0x0] =	wrdreg $0x60  }
0xae: {  	[dreg:$0x2] =	wrdreg s24  }
0xaf: {  	[dreg:$0x3] =	wrdreg $0x9C000  }
0xb0: {  	[dreg:$0x4] =	wrdreg $0x9  }
0xb1: {  	_ =	task.clear_ibuf [dreg:s6], $0x5FFFF;
	_ =	strace $0x9000004C  }
0xb2: {  	s29 =	simm.s32 $0x9;
	_ =	strace $0x8000004E  }
0xb3: {  	_ =	swait.ge [sflag:s29], $0x1  }
0xb4: {  	[sflag:s29] =	ssyncadd.s32 $0xFFFFFFFF  }
0xb5: {  	_ =	strace $0x9000004E  }
0xb6: {  	_ =	sfence  }
0xb7: {  	s30 =	sld [smem:$0x0];
	_ =	sdelay $0x2  }
0xb8: {  	s31 =	sshll.u32 s1, $0xD;
	s1 =	sshrl.u32 s1, $0x2  }
0xb9: {  	s3 =	sand.u32 $0x4000, s31;
	s1 =	sadd.s32 s1, s30  }
0xba: {  	s0 =	sor.u32 s3, s0;
	s1 =	sshll.u32 s1, $0x11  }
0xbb: {  	s0 =	sor.u32 s1, s0  }
0xbc: {  	s0 =	sadd.s32 $0x8F2B, s0  }
0xbd: {  	[sflag:s0] =	ssyncadd.remote.s32 $0x1  }
0xbe: {  	_ =	sfence.sel $0xFFFF  }
0xbf: {  	[dreg:$0x0] =	wrdreg $0xFFFFFFFF;
	(pc) =	sbr.abs _section_cstart, $3  }
0xc0: {  	[dreg:$0x1] =	wrdreg $0xFFFFFFFF  }
0xc1: {  	_ =	task.clear_ibuf [dreg:s6], $0x2FFFF;
	_ =	strace $0x9FFFFFFF  }
0xc2: {  	(tm) =	ssettm $0x7FFFFFFF  }
0xc3: {  	_ =	shalt  }
tec
execute0_lowered:
.L_overlay_start_1:
0x0: {  	(tag) =	ssettag $0x1  }
0x1: {  	s1 =	srdreg.scid  }
0x2: {  	s0 =	stileid.u32;
	s6 =	rddreg [dreg:$0x0]  }
0x3: {  	s2 =	rddreg [dreg:$0x1];
	s3 =	simm.s32 $0x0;
	s14 =	simm.s32 $0x64  }
0x4: {  	s15 =	simm.s32 $0x6800;
	s16 =	simm.s32 $0x1;
	s17 =	simm.s32 $0x0  }
0x5: {  	s5 =	sand.u32 $0x1, s1;
	s29 =	sshll.u32 s0, $0x1;
	s9 =	smul.u32 $0x14000, s0  }
0x6: {  	[smem:$0x7FF] =	sst s3;
	s4 =	sadd.s32 $0x13C00, s6;
	s11 =	smul.u32 $0x50000, s0  }
0x7: {  	s12 =	sshll.u32 s0, $0x6;
	s1 =	sor.u32 s5, s29;
	s8 =	smul.u32 $0x140000, s5  }
0x8: {  	s30 =	ssub.s32 $0x2, s5;
	s5 =	sadd.s32 $0x11400, s6;
	s12 =	sor.u32 $0x1C02, s12  }
0x9: {  	s7 =	smul.u32 $0x680, s1;
	s1 =	rddreg [dreg:$0x2];
	_ =	strace $0x8000004D  }
0xa: {  	s10 =	sshrl.u32 s30, $0x1;
	s31 =	sshrl.u32 s11, $0x2;
	s11 =	simm.s32 $0x3400  }
0xb: {  	s8 =	sadd.s32 s9, s8;
	s9 =	ssub.s32 s30, s10;
	s13 =	sadd.s32 s31, s2  }
0xc: {  	s10 =	simm.s32 $0x2;
	s7 =	sadd.s32 s7, s6;
	s8 =	sshrl.u32 s8, $0x3  }
0xd: {  	s9 =	smax.u32 s9, $0x1;
	s13 =	sshrl.u32 s13, $0x3;
	s8 =	sadd.s32 s8, s6  }
0xe: {  	s6 =	sadd.s32 $0x64400, s7;
	s7 =	sadd.s32 $0x4400, s7;
	s8 =	sadd.s32 $0x71400, s8  }
.LBB2_1:
0xf: {  	[tilespmem:s3], [sflag:$0x2] =	stream.linear.gather [hbm4b:s6+s3], $0x3200, $0x38;
	[tilespmem:$0x1DC00] =	vst v63  }
0x10: {  	_ =	swait.ge [sflag:s10], $0x3200  }
0x11: {  	[sflag:s10] =	ssyncset.done $0x0  }
0x12: {  	[sflag:s10] =	ssyncadd.s32 $0xFFFFCE00  }
0x13: {  	[tilespmem:s11], [sflag:$0x2] =	stream.linear.gather [hbm4b:s7+s3], $0x3200, $0x38;
	[tilespmem:$0x1DC00] =	vst v63  }
0x14: {  	_ =	swait.ge [sflag:s10], $0x3200  }
0x15: {  	[sflag:s10] =	ssyncset.done $0x0  }
0x16: {  	[sflag:s10] =	ssyncadd.s32 $0xFFFFCE00  }
0x17: {  	[spmem:s13], [sflag:s12] =	dma.local [hbm:s5], $0x2800  }
0x18: {  	_ =	swait.ge [sflag:s10], $0x2800  }
0x19: {  	[sflag:s10] =	ssyncset.done $0x0  }
0x1a: {  	[sflag:s10] =	ssyncadd.s32 $0xFFFFD800  }
0x1b: {  	s18 =	simm.s32 $0x0;
	[bflag:$0x0] =	sbarrier.arrive $0xFFFF  }
0x1c: {  	[tilespmem:s15], [sflag:$0x1] =	stream.indirect.gather [hbm4b:s4+s14], $0x80, s18, s14, $0xb8;
	[tilespmem:$0x1DC00] =	vst v63  }
0x1d: {  	_ =	swait.ge [sflag:s16], $0x3200  }
0x1e: {  	[sflag:s16] =	ssyncset.done $0x0  }
0x1f: {  	s31 =	simm.s32 $0x3400;
	[sflag:s16] =	ssyncadd.s32 $0xFFFFCE00  }
0x20: {  	[spmem:s2] =	stream.indirect.scatter.add.f32 [tilespmem:s15], [sflag:$0x2], $0x80, s31, s14, $0xb8;
	[tilespmem:$0x1DC00] =	vst v63  }
0x21: {  	_ =	swait.ge [sflag:s10], $0x3200  }
0x22: {  	s19 =	simm.s32 $0x400;
	s18 =	simm.s32 $0x200;
	[sflag:s10] =	ssyncset.done $0x0  }
.LBB2_2:
0x23: {  	s20 =	sshra.s32 s18, $0x2  }
0x24: {  	[sflag:s10] =	ssyncadd.s32 $0xFFFFCE00;
	s18 =	smov.u32 s19;
	s21 =	sadd.s32 $0x200, s19  }
0x25: {  	[tilespmem:s15], [sflag:$0x1] =	stream.indirect.gather [hbm4b:s4+s14], $0x80, s20, s14, $0xb8;
	[tilespmem:$0x1DC00] =	vst v63  }
0x26: {  	p0 =	sne.s32 s19, $0xC600;
	_ =	swait.ge [sflag:s16], $0x3200  }
.Ltmp0:
0x27: {  	[sflag:s16] =	ssyncset.done $0x0;
	(pc) =	sbr.rel @p0 .LBB2_2-.Ltmp0, $4  }
0x28: {  	s19 =	sadd.s32 $0x3400, s20;
	[sflag:s16] =	ssyncadd.s32 $0xFFFFCE00  }
0x29: {  	[spmem:s2] =	stream.indirect.scatter.add.f32 [tilespmem:s15], [sflag:$0x2], $0x80, s19, s14, $0xb8;
	[tilespmem:$0x1DC00] =	vst v63  }
0x2a: {  	_ =	swait.ge [sflag:s10], $0x3200  }
0x2b: {  	s19 =	smov.u32 s21;
	[sflag:s10] =	ssyncset.done $0x0  }
0x2c: {  	s18 =	sshra.s32 s18, $0x2;
	[sflag:s10] =	ssyncadd.s32 $0xFFFFCE00  }
0x2d: {  	[tilespmem:s15], [sflag:$0x1] =	stream.indirect.gather [hbm4b:s4+s14], $0x80, s18, s14, $0xb8;
	[tilespmem:$0x1DC00] =	vst v63  }
0x2e: {  	_ =	swait.ge [sflag:s16], $0x3200  }
0x2f: {  	[sflag:s16] =	ssyncset.done $0x0  }
0x30: {  	s18 =	sadd.s32 $0x3400, s18;
	[sflag:s16] =	ssyncadd.s32 $0xFFFFCE00  }
0x31: {  	[spmem:s2] =	stream.indirect.scatter.add.f32 [tilespmem:s15], [sflag:$0x2], $0x80, s18, s14, $0xb8;
	[tilespmem:$0x1DC00] =	vst v63  }
0x32: {  	_ =	swait.ge [sflag:s10], $0x3200  }
0x33: {  	s17 =	sadd.s32 $0x1, s17;
	[sflag:s10] =	ssyncset.done $0x0  }
0x34: {  	p0 =	sne.s32 s17, s9;
	[sflag:s10] =	ssyncadd.s32 $0xFFFFCE00  }
.Ltmp1:
0x35: {  	[bflag:$0x0] =	sbarrier.arrive $0xFFFF;
	(pc) =	sbr.rel @p0 .LBB2_1-.Ltmp1, $4  }
0x36: {  	[hbm:s8], [sflag:s12] =	dma.local [spmem:s13], $0x2800  }
0x37: {  	_ =	swait.ge [sflag:s10], $0x2800  }
0x38: {  	[sflag:s10] =	ssyncset.done $0x0  }
0x39: {  	[sflag:s10] =	ssyncadd.s32 $0xFFFFD800  }
0x3a: {  	_ =	sfence.sel $0x180000  }
0x3b: {  	[bflag:$0x0] =	sbarrier.arrive $0xFFFF  }
0x3c: {  	p0 =	sne.s32 s0, $0x0;
	_ =	strace $0x9000004D  }
0x3d: {  	s0 =	sadd.s32 @!p0 $0x100000, s1;
	[bflag:$0x2] =	sbarrier.arrive $0xFFFF  }
0x3e: {  	[sflag:s0] =	ssyncadd.tile.s32 @!p0 $0x1;
	_ =	shalt  }
.Lfunc_end2:
_tile_overlayer_lowered:
.L_overlay_start_2:
0x3f: {  	(tag) =	ssettag $0x2  }
0x40: {  	s0 =	rddreg [dreg:$0x0];
	s2 =	stileid.u32  }
0x41: {  	s1 =	rddreg [dreg:$0x1];
	p0 =	sne.s32 s2, $0x0  }
0x42: {  	s3 =	rddreg [dreg:$0x2];
	[bflag:$0x3] =	sbarrier.arrive $0xFFFF;
	s2 =	simm.s32 @!p0 $0x1C02  }
0x43: {  	[timem:s3], [sflag:s2] =	dma.local @!p0 [hbm:s0], s1  }
0x44: {  	s0 =	simm.s32 @!p0 $0x2  }
0x45: {  	_ =	swait.ge @!p0 [sflag:s0], s1  }
0x46: {  	s1 =	ssub.s32 @!p0 $0x0, s1;
	[sflag:s0] =	ssyncset.done @!p0 $0x0  }
0x47: {  	[sflag:s0] =	ssyncadd.s32 @!p0 s1  }
0x48: {  	[bflag:$0x3] =	sbarrier.arrive $0xFFFF  }
0x49: {  	_ =	shalt  }

// kernel: kernel.23.cloned.1.call-start
scs
__scs_entry_jumppad:
0x0: {  	(pc) =	sbr.rel $0x88, $3  }
0x1: {  	(tag) =	ssettag $0x0;
	lr =	simm.s32 $0x1  }
0x2: {  	[smem:$0x3F93] =	sst lr;
	_ =	strace $0xD0000000  }
0x3: {  	_ = 	snop  }
0x4: {  	_ = 	snop  }
0x5: {  	_ = 	snop  }
0x6: {  	_ = 	snop  }
0x7: {  	_ = 	snop  }
__scs_overlays_trampoline_lowered:
0x8: {  	[smem:$0x3FA2] =	sst s0  }
0x9: {  	[smem:$0x3FA3] =	sst s1  }
0xa: {  	[smem:$0x3FA4] =	sst s2  }
0xb: {  	[smem:$0x3FA5] =	sst s3  }
0xc: {  	[smem:$0x3FA6] =	sst s4  }
0xd: {  	[smem:$0x3FA7] =	sst s5  }
0xe: {  	[smem:$0x3FA8] =	sst s6  }
0xf: {  	[smem:$0x3FA9] =	sst s7  }
0x10: {  	[smem:$0x3FAA] =	sst s8  }
0x11: {  	[smem:$0x3FAB] =	sst s9;
	s0 =	simm.s32 @!p0 $0x0  }
0x12: {  	s1 =	sld [smem:$0x3F91];
	s0 =	simm.s32 @p0 $0x1  }
0x13: {  	[smem:$0x3FAC] =	sst s0;
	s0 =	simm.s32 @!p1 $0x0  }
0x14: {  	s2 =	sld [smem:$0x3F90];
	s0 =	simm.s32 @p1 $0x1  }
0x15: {  	[smem:$0x3FAD] =	sst s0;
	s0 =	simm.s32 @!p2 $0x0  }
0x16: {  	s3 =	sld [smem:$0x3FDB];
	s0 =	simm.s32 @p2 $0x1  }
0x17: {  	s4 =	simm.s32 $0x1BF5;
	[smem:$0x3FAF] =	sst s0  }
0x18: {  	s0 =	sld [smem:$0x3F92];
	_ =	swait.ge [sflag:s4], $0x0  }
0x19: {  	s7 =	sld [smem:$0x3F93]  }
0x1a: {  	s8 =	sadd.s32 $0xFFFFE003, lr  }
0x1b: {  	s9 =	sadd.s32 $0xFFFFFEF7, lr;
	s5 =	simm.s32 $0xFFFFFFFF;
	p2 =	slt.u32 s8, $0xFFFFF086  }
0x1c: {  	p1 =	slt.u32 s9, $0xF7A;
	s5 =	simm.s32 @!p2 $0x0  }
0x1d: {  	s5 =	simm.s32 @p1 $0x1;
	p0 =	seq.s32 s7, s2  }
0x1e: {  	s7 =	smul.u32 @!p0 $0xF7A, s2;
	p2 =	seq.s32 @!p0 s5, $0x0  }
0x1f: {  	s9 =	smul.u32 $0xF7A, s1;
	s8 =	simm.s32 @!p0 $0x1BF5;
	p2 =	por !p2, p0  }
0x20: {  	[sflag:s8] =	ssyncset.s32 @!p0 $0xFFFFF086;
	s6 =	sadd.s32 @!p0 s3, s7;
	s7 =	simm.s32 @!p0 $0x108  }
0x21: {  	s3 =	sadd.s32 s3, s9;
	s6 =	sadd.s32 @!p0 $0x88, s6;
	s7 =	simm.s32 @p2 $0x1082  }
0x22: {  	[simem:s7], [sflag:s8] =	dma.local @!p0 [hbm:s6], $0xF7A  }
0x23: {  	s9 =	sor.u32 $0xD0000000, s2;
	s6 =	simm.s32 $0x108;
	_ =	swait.ge @!p0 [sflag:s8], $0x0  }
0x24: {  	s3 =	sadd.s32 $0x88, s3;
	s6 =	simm.s32 @!p1 $0x1082;
	[sflag:s4] =	ssyncset.s32 $0xFFFFF086  }
0x25: {  	[simem:s6], [sflag:s4] =	dma.local [hbm:s3], $0xF7A  }
0x26: {  	[smem:$0x3F93] =	sst s1;
	(tag) =	ssettag s2;
	_ =	strace s9  }
0x27: {  	s1 =	sld [smem:$0x3FA3]  }
0x28: {  	s2 =	sld [smem:$0x3FA4]  }
0x29: {  	s4 =	sld [smem:$0x3FA6]  }
0x2a: {  	p0 =	seq.s32 s5, $0x0;
	s5 =	sld [smem:$0x3FA7]  }
0x2b: {  	s6 =	sld [smem:$0x3FA8]  }
0x2c: {  	s7 =	sld [smem:$0x3FA9]  }
0x2d: {  	s3 =	simm.s32 $0x108;
	s8 =	sld [smem:$0x3FAA]  }
0x2e: {  	s3 =	simm.s32 @!p0 $0x1082;
	s9 =	sld [smem:$0x3FAB]  }
0x2f: {  	lr =	sadd.s32 s0, s3;
	s0 =	sld [smem:$0x3FA2]  }
0x30: {  	s3 =	sld [smem:$0x3FA5]  }
0x31: {  	[smem:$0x3FAE] =	sst s10  }
0x32: {  	s10 =	sld [smem:$0x3FAC];
	_ =	sdelay $0x3  }
0x33: {  	p0 =	seq.s32 s10, $0x1;
	s10 =	sld [smem:$0x3FAE];
	_ =	sdelay $0x3  }
0x34: {  	[smem:$0x3FAE] =	sst s10  }
0x35: {  	s10 =	sld [smem:$0x3FAD];
	_ =	sdelay $0x3  }
0x36: {  	p1 =	seq.s32 s10, $0x1;
	s10 =	sld [smem:$0x3FAE];
	_ =	sdelay $0x3  }
0x37: {  	[smem:$0x3FAE] =	sst s10  }
0x38: {  	s10 =	sld [smem:$0x3FAF]  }
0x39: {  	_ = 	snop;
	(pc) =	sbr.ind lr, $3  }
0x3a: {  	_ = 	snop  }
0x3b: {  	_ = 	snop  }
0x3c: {  	p2 =	seq.s32 s10, $0x1;
	s10 =	sld [smem:$0x3FAE]  }
0x3d: {  	_ =	shalt  }
0x3e: {  	_ =	shalt  }
0x3f: {  	_ =	shalt  }
0x40: {  	_ =	shalt  }
0x41: {  	_ =	shalt  }
0x42: {  	_ =	shalt  }
0x43: {  	_ =	shalt  }
0x44: {  	_ =	shalt  }
0x45: {  	_ =	shalt  }
0x46: {  	_ =	shalt  }
0x47: {  	_ =	shalt  }
0x48: {  	_ =	shalt  }
0x49: {  	_ =	shalt  }
0x4a: {  	_ =	shalt  }
0x4b: {  	_ =	shalt  }
0x4c: {  	_ =	shalt  }
0x4d: {  	_ =	shalt  }
0x4e: {  	_ =	shalt  }
0x4f: {  	_ =	shalt  }
0x50: {  	_ =	shalt  }
0x51: {  	_ =	shalt  }
0x52: {  	_ =	shalt  }
0x53: {  	_ =	shalt  }
0x54: {  	_ =	shalt  }
0x55: {  	_ =	shalt  }
0x56: {  	_ =	shalt  }
0x57: {  	_ =	shalt  }
0x58: {  	_ =	shalt  }
0x59: {  	_ =	shalt  }
0x5a: {  	_ =	shalt  }
0x5b: {  	_ =	shalt  }
0x5c: {  	_ =	shalt  }
0x5d: {  	_ =	shalt  }
0x5e: {  	_ =	shalt  }
0x5f: {  	_ =	shalt  }
0x60: {  	_ =	shalt  }
0x61: {  	_ =	shalt  }
0x62: {  	_ =	shalt  }
0x63: {  	_ =	shalt  }
0x64: {  	_ =	shalt  }
0x65: {  	_ =	shalt  }
0x66: {  	_ =	shalt  }
0x67: {  	_ =	shalt  }
0x68: {  	_ =	shalt  }
0x69: {  	_ =	shalt  }
0x6a: {  	_ =	shalt  }
0x6b: {  	_ =	shalt  }
0x6c: {  	_ =	shalt  }
0x6d: {  	_ =	shalt  }
0x6e: {  	_ =	shalt  }
0x6f: {  	_ =	shalt  }
0x70: {  	_ =	shalt  }
0x71: {  	_ =	shalt  }
0x72: {  	_ =	shalt  }
0x73: {  	_ =	shalt  }
0x74: {  	_ =	shalt  }
0x75: {  	_ =	shalt  }
0x76: {  	_ =	shalt  }
0x77: {  	_ =	shalt  }
0x78: {  	_ =	shalt  }
0x79: {  	_ =	shalt  }
0x7a: {  	_ =	shalt  }
0x7b: {  	_ =	shalt  }
0x7c: {  	_ =	shalt  }
0x7d: {  	_ =	shalt  }
0x7e: {  	_ =	shalt  }
0x7f: {  	_ =	shalt  }
0x80: {  	_ =	shalt  }
0x81: {  	_ =	shalt  }
0x82: {  	_ =	shalt  }
0x83: {  	_ =	shalt  }
0x84: {  	_ =	shalt  }
0x85: {  	_ =	shalt  }
0x86: {  	_ =	shalt  }
0x87: {  	_ =	shalt  }
.Lfunc_end0:
.L_simem_size_0:
called_computation.3_lowered:
.L_overlay_start_0:
0x88: {  	s2 =	sld [smem:$0x3FD9]  }
0x89: {  	s3 =	sld [smem:$0x3FFE];
	_ =	sdelay $0x1  }
0x8a: {  	s1 =	srdreg.scid  }
0x8b: {  	s0 =	sand.u32 $0x1, s1  }
0x8c: {  	s16 =	sshll.u32 s0, $0xA;
	s2 =	sadd.s32 s3, s2  }
0x8d: {  	s2 =	sadd.s32 s2, s16  }
0x8e: {  	[smem:$0x3FBA] =	sst s2  }
0x8f: {  	_ = 	snop  }
0x90: {  	(tm) =	ssettm $0x1  }
0x91: {  	s17 =	sld [smem:$0x3FFB];
	_ =	sdelay $0x3  }
0x92: {  	_ =	strace s17  }
0x93: {  	s2 =	sld [smem:$0x3FFC];
	_ =	sdelay $0x3  }
0x94: {  	_ =	strace s2  }
0x95: {  	s2 =	sld [smem:$0x3FFD];
	_ =	sdelay $0x3  }
0x96: {  	_ =	strace s2  }
0x97: {  	_ =	strace $0x8FFFFFFF  }
0x98: {  	s18 =	sld [smem:$0x3FDB];
	_ =	sdelay $0x1  }
0x99: {  	s19 =	simm.s32 $_scs_section_size  }
0x9a: {  	s4 =	simm.s32 $_size__tile_overlayer_lowered;
	s5 =	simm.s32 $_tile_overlayer_lowered  }
0x9b: {  	s22 =	simm.s32 $0x1BFF;
	s21 =	sshll.u32 s5, $0x1;
	s2 =	sadd.s32 s19, s18  }
0x9c: {  	s6 =	simm.s32 $0x0;
	s20 =	sshll.u32 s4, $0x1;
	s4 =	sadd.s32 s21, s2  }
0x9d: {  	[timem:s6], [sflag:s22] =	dma.local [hbm:s4], s20  }
0x9e: {  	_ =	swait.ge [sflag:s22], s20  }
0x9f: {  	s3 =	ssub.s32 $0x0, s20;
	[sflag:s22] =	ssyncset.done $0x0  }
0xa0: {  	[sflag:s22] =	ssyncadd.s32 s3;
	_ =	sdelay $0x1  }
0xa1: {  	s23 =	simm.s32 $0x1B8B  }
0xa2: {  	_ =	swait.ge [sflag:s23], $0x1  }
0xa3: {  	[sflag:s23] =	ssyncset.done $0x0  }
0xa4: {  	s25 =	simm.s32 $0x1B8E;
	s24 =	sld [smem:$0x3FFE];
	[sflag:s23] =	ssyncadd.s32 $0xFFFFFFFF  }
0xa5: {  	s26 =	simm.s32 $execute0_lowered;
	[smem:$0x3FD2] =	sst s25  }
0xa6: {  	s4 =	sshll.u32 s26, $0x1;
	_ =	strace $0x8000004F;
	[dreg:$0x1] =	wrdreg $0xFFFFFFFF  }
0xa7: {  	s28 =	simm.s32 $_size_execute0_lowered;
	s2 =	sadd.s32 s2, s4;
	[dreg:$0x0] =	wrdreg $0x0  }
0xa8: {  	s4 =	sshll.u32 s28, $0x1;
	[dreg:$0x2] =	wrdreg s2  }
0xa9: {  	[dreg:$0x3] =	wrdreg s4  }
0xaa: {  	[dreg:$0x4] =	wrdreg $0xC0  }
0xab: {  	_ =	task [dreg:s6], $0x5FFFF  }
0xac: {  	[dreg:$0x1] =	wrdreg $0xFFFFFFFF  }
0xad: {  	[dreg:$0x0] =	wrdreg $0x60  }
0xae: {  	[dreg:$0x2] =	wrdreg s24  }
0xaf: {  	[dreg:$0x3] =	wrdreg $0x9C000  }
0xb0: {  	[dreg:$0x4] =	wrdreg $0x9  }
0xb1: {  	_ =	task.clear_ibuf [dreg:s6], $0x5FFFF;
	_ =	strace $0x9000004F  }
0xb2: {  	s29 =	simm.s32 $0x9;
	_ =	strace $0x80000051  }
0xb3: {  	_ =	swait.ge [sflag:s29], $0x1  }
0xb4: {  	[sflag:s29] =	ssyncadd.s32 $0xFFFFFFFF  }
0xb5: {  	_ =	strace $0x90000051  }
0xb6: {  	_ =	sfence  }
0xb7: {  	s30 =	sld [smem:$0x0];
	_ =	sdelay $0x2  }
0xb8: {  	s31 =	sshll.u32 s1, $0xD;
	s1 =	sshrl.u32 s1, $0x2  }
0xb9: {  	s3 =	sand.u32 $0x4000, s31;
	s1 =	sadd.s32 s1, s30  }
0xba: {  	s0 =	sor.u32 s3, s0;
	s1 =	sshll.u32 s1, $0x11  }
0xbb: {  	s0 =	sor.u32 s1, s0  }
0xbc: {  	s0 =	sadd.s32 $0x8F2B, s0  }
0xbd: {  	[sflag:s0] =	ssyncadd.remote.s32 $0x1  }
0xbe: {  	_ =	sfence.sel $0xFFFF  }
0xbf: {  	[dreg:$0x0] =	wrdreg $0xFFFFFFFF;
	(pc) =	sbr.abs _section_cstart, $3  }
0xc0: {  	[dreg:$0x1] =	wrdreg $0xFFFFFFFF  }
0xc1: {  	_ =	task.clear_ibuf [dreg:s6], $0x2FFFF;
	_ =	strace $0x9FFFFFFF  }
0xc2: {  	(tm) =	ssettm $0x7FFFFFFF  }
0xc3: {  	_ =	shalt  }
tec
execute0_lowered:
.L_overlay_start_1:
0x0: {  	(tag) =	ssettag $0x1  }
0x1: {  	s1 =	srdreg.scid  }
0x2: {  	s0 =	stileid.u32;
	s6 =	rddreg [dreg:$0x0]  }
0x3: {  	s2 =	rddreg [dreg:$0x1];
	s3 =	simm.s32 $0x0;
	s14 =	simm.s32 $0x64  }
0x4: {  	s15 =	simm.s32 $0x6800;
	s16 =	simm.s32 $0x1;
	s17 =	simm.s32 $0x0  }
0x5: {  	s5 =	sand.u32 $0x1, s1;
	s29 =	sshll.u32 s0, $0x1;
	s9 =	smul.u32 $0x14000, s0  }
0x6: {  	[smem:$0x7FF] =	sst s3;
	s4 =	sadd.s32 $0x13C00, s6;
	s11 =	smul.u32 $0x50000, s0  }
0x7: {  	s12 =	sshll.u32 s0, $0x6;
	s1 =	sor.u32 s5, s29;
	s8 =	smul.u32 $0x140000, s5  }
0x8: {  	s30 =	ssub.s32 $0x2, s5;
	s5 =	sadd.s32 $0x11400, s6;
	s12 =	sor.u32 $0x1C02, s12  }
0x9: {  	s7 =	smul.u32 $0x680, s1;
	s1 =	rddreg [dreg:$0x2];
	_ =	strace $0x80000050  }
0xa: {  	s10 =	sshrl.u32 s30, $0x1;
	s31 =	sshrl.u32 s11, $0x2;
	s11 =	simm.s32 $0x3400  }
0xb: {  	s8 =	sadd.s32 s9, s8;
	s9 =	ssub.s32 s30, s10;
	s13 =	sadd.s32 s31, s2  }
0xc: {  	s10 =	simm.s32 $0x2;
	s7 =	sadd.s32 s7, s6;
	s8 =	sshrl.u32 s8, $0x3  }
0xd: {  	s9 =	smax.u32 s9, $0x1;
	s13 =	sshrl.u32 s13, $0x3;
	s8 =	sadd.s32 s8, s6  }
0xe: {  	s6 =	sadd.s32 $0x64400, s7;
	s7 =	sadd.s32 $0x4400, s7;
	s8 =	sadd.s32 $0x71400, s8  }
.LBB2_1:
0xf: {  	[tilespmem:s3], [sflag:$0x2] =	stream.linear.gather [hbm4b:s6+s3], $0x3200, $0x38;
	[tilespmem:$0x1DC00] =	vst v63  }
0x10: {  	_ =	swait.ge [sflag:s10], $0x3200  }
0x11: {  	[sflag:s10] =	ssyncset.done $0x0  }
0x12: {  	[sflag:s10] =	ssyncadd.s32 $0xFFFFCE00  }
0x13: {  	[tilespmem:s11], [sflag:$0x2] =	stream.linear.gather [hbm4b:s7+s3], $0x3200, $0x38;
	[tilespmem:$0x1DC00] =	vst v63  }
0x14: {  	_ =	swait.ge [sflag:s10], $0x3200  }
0x15: {  	[sflag:s10] =	ssyncset.done $0x0  }
0x16: {  	[sflag:s10] =	ssyncadd.s32 $0xFFFFCE00  }
0x17: {  	[spmem:s13], [sflag:s12] =	dma.local [hbm:s5], $0x2800  }
0x18: {  	_ =	swait.ge [sflag:s10], $0x2800  }
0x19: {  	[sflag:s10] =	ssyncset.done $0x0  }
0x1a: {  	[sflag:s10] =	ssyncadd.s32 $0xFFFFD800  }
0x1b: {  	s18 =	simm.s32 $0x0;
	[bflag:$0x0] =	sbarrier.arrive $0xFFFF  }
0x1c: {  	[tilespmem:s15], [sflag:$0x1] =	stream.indirect.gather [hbm4b:s4+s14], $0x80, s18, s14, $0xb8;
	[tilespmem:$0x1DC00] =	vst v63  }
0x1d: {  	_ =	swait.ge [sflag:s16], $0x3200  }
0x1e: {  	[sflag:s16] =	ssyncset.done $0x0  }
0x1f: {  	s31 =	simm.s32 $0x3400;
	[sflag:s16] =	ssyncadd.s32 $0xFFFFCE00  }
0x20: {  	[spmem:s2] =	stream.indirect.scatter.add.f32 [tilespmem:s15], [sflag:$0x2], $0x80, s31, s14, $0xb8;
	[tilespmem:$0x1DC00] =	vst v63  }
0x21: {  	_ =	swait.ge [sflag:s10], $0x3200  }
0x22: {  	s19 =	simm.s32 $0x400;
	s18 =	simm.s32 $0x200;
	[sflag:s10] =	ssyncset.done $0x0  }
.LBB2_2:
0x23: {  	s20 =	sshra.s32 s18, $0x2  }
0x24: {  	[sflag:s10] =	ssyncadd.s32 $0xFFFFCE00;
	s18 =	smov.u32 s19;
	s21 =	sadd.s32 $0x200, s19  }
0x25: {  	[tilespmem:s15], [sflag:$0x1] =	stream.indirect.gather [hbm4b:s4+s14], $0x80, s20, s14, $0xb8;
	[tilespmem:$0x1DC00] =	vst v63  }
0x26: {  	p0 =	sne.s32 s19, $0xC600;
	_ =	swait.ge [sflag:s16], $0x3200  }
.Ltmp0:
0x27: {  	[sflag:s16] =	ssyncset.done $0x0;
	(pc) =	sbr.rel @p0 .LBB2_2-.Ltmp0, $4  }
0x28: {  	s19 =	sadd.s32 $0x3400, s20;
	[sflag:s16] =	ssyncadd.s32 $0xFFFFCE00  }
0x29: {  	[spmem:s2] =	stream.indirect.scatter.add.f32 [tilespmem:s15], [sflag:$0x2], $0x80, s19, s14, $0xb8;
	[tilespmem:$0x1DC00] =	vst v63  }
0x2a: {  	_ =	swait.ge [sflag:s10], $0x3200  }
0x2b: {  	s19 =	smov.u32 s21;
	[sflag:s10] =	ssyncset.done $0x0  }
0x2c: {  	s18 =	sshra.s32 s18, $0x2;
	[sflag:s10] =	ssyncadd.s32 $0xFFFFCE00  }
0x2d: {  	[tilespmem:s15], [sflag:$0x1] =	stream.indirect.gather [hbm4b:s4+s14], $0x80, s18, s14, $0xb8;
	[tilespmem:$0x1DC00] =	vst v63  }
0x2e: {  	_ =	swait.ge [sflag:s16], $0x3200  }
0x2f: {  	[sflag:s16] =	ssyncset.done $0x0  }
0x30: {  	s18 =	sadd.s32 $0x3400, s18;
	[sflag:s16] =	ssyncadd.s32 $0xFFFFCE00  }
0x31: {  	[spmem:s2] =	stream.indirect.scatter.add.f32 [tilespmem:s15], [sflag:$0x2], $0x80, s18, s14, $0xb8;
	[tilespmem:$0x1DC00] =	vst v63  }
0x32: {  	_ =	swait.ge [sflag:s10], $0x3200  }
0x33: {  	s17 =	sadd.s32 $0x1, s17;
	[sflag:s10] =	ssyncset.done $0x0  }
0x34: {  	p0 =	sne.s32 s17, s9;
	[sflag:s10] =	ssyncadd.s32 $0xFFFFCE00  }
.Ltmp1:
0x35: {  	[bflag:$0x0] =	sbarrier.arrive $0xFFFF;
	(pc) =	sbr.rel @p0 .LBB2_1-.Ltmp1, $4  }
0x36: {  	[hbm:s8], [sflag:s12] =	dma.local [spmem:s13], $0x2800  }
0x37: {  	_ =	swait.ge [sflag:s10], $0x2800  }
0x38: {  	[sflag:s10] =	ssyncset.done $0x0  }
0x39: {  	[sflag:s10] =	ssyncadd.s32 $0xFFFFD800  }
0x3a: {  	_ =	sfence.sel $0x180000  }
0x3b: {  	[bflag:$0x0] =	sbarrier.arrive $0xFFFF  }
0x3c: {  	p0 =	sne.s32 s0, $0x0;
	_ =	strace $0x90000050  }
0x3d: {  	s0 =	sadd.s32 @!p0 $0x100000, s1;
	[bflag:$0x2] =	sbarrier.arrive $0xFFFF  }
0x3e: {  	[sflag:s0] =	ssyncadd.tile.s32 @!p0 $0x1;
	_ =	shalt  }
.Lfunc_end2:
_tile_overlayer_lowered:
.L_overlay_start_2:
0x3f: {  	(tag) =	ssettag $0x2  }
0x40: {  	s0 =	rddreg [dreg:$0x0];
	s2 =	stileid.u32  }
0x41: {  	s1 =	rddreg [dreg:$0x1];
	p0 =	sne.s32 s2, $0x0  }
0x42: {  	s3 =	rddreg [dreg:$0x2];
	[bflag:$0x3] =	sbarrier.arrive $0xFFFF;
	s2 =	simm.s32 @!p0 $0x1C02  }
0x43: {  	[timem:s3], [sflag:s2] =	dma.local @!p0 [hbm:s0], s1  }
0x44: {  	s0 =	simm.s32 @!p0 $0x2  }
0x45: {  	_ =	swait.ge @!p0 [sflag:s0], s1  }
0x46: {  	s1 =	ssub.s32 @!p0 $0x0, s1;
	[sflag:s0] =	ssyncset.done @!p0 $0x0  }
0x47: {  	[sflag:s0] =	ssyncadd.s32 @!p0 s1  }
0x48: {  	[bflag:$0x3] =	sbarrier.arrive $0xFFFF  }
0x49: {  	_ =	shalt  }

// kernel: kernel.26.cloned.1.call-start
scs
__scs_entry_jumppad:
0x0: {  	(pc) =	sbr.rel $0x88, $3  }
0x1: {  	(tag) =	ssettag $0x0;
	lr =	simm.s32 $0x1  }
0x2: {  	[smem:$0x3F93] =	sst lr;
	_ =	strace $0xD0000000  }
0x3: {  	_ = 	snop  }
0x4: {  	_ = 	snop  }
0x5: {  	_ = 	snop  }
0x6: {  	_ = 	snop  }
0x7: {  	_ = 	snop  }
__scs_overlays_trampoline_lowered:
0x8: {  	[smem:$0x3FA2] =	sst s0  }
0x9: {  	[smem:$0x3FA3] =	sst s1  }
0xa: {  	[smem:$0x3FA4] =	sst s2  }
0xb: {  	[smem:$0x3FA5] =	sst s3  }
0xc: {  	[smem:$0x3FA6] =	sst s4  }
0xd: {  	[smem:$0x3FA7] =	sst s5  }
0xe: {  	[smem:$0x3FA8] =	sst s6  }
0xf: {  	[smem:$0x3FA9] =	sst s7  }
0x10: {  	[smem:$0x3FAA] =	sst s8  }
0x11: {  	[smem:$0x3FAB] =	sst s9;
	s0 =	simm.s32 @!p0 $0x0  }
0x12: {  	s1 =	sld [smem:$0x3F91];
	s0 =	simm.s32 @p0 $0x1  }
0x13: {  	[smem:$0x3FAC] =	sst s0;
	s0 =	simm.s32 @!p1 $0x0  }
0x14: {  	s2 =	sld [smem:$0x3F90];
	s0 =	simm.s32 @p1 $0x1  }
0x15: {  	[smem:$0x3FAD] =	sst s0;
	s0 =	simm.s32 @!p2 $0x0  }
0x16: {  	s3 =	sld [smem:$0x3FDB];
	s0 =	simm.s32 @p2 $0x1  }
0x17: {  	s4 =	simm.s32 $0x1BF5;
	[smem:$0x3FAF] =	sst s0  }
0x18: {  	s0 =	sld [smem:$0x3F92];
	_ =	swait.ge [sflag:s4], $0x0  }
0x19: {  	s7 =	sld [smem:$0x3F93]  }
0x1a: {  	s8 =	sadd.s32 $0xFFFFE003, lr  }
0x1b: {  	s9 =	sadd.s32 $0xFFFFFEF7, lr;
	s5 =	simm.s32 $0xFFFFFFFF;
	p2 =	slt.u32 s8, $0xFFFFF086  }
0x1c: {  	p1 =	slt.u32 s9, $0xF7A;
	s5 =	simm.s32 @!p2 $0x0  }
0x1d: {  	s5 =	simm.s32 @p1 $0x1;
	p0 =	seq.s32 s7, s2  }
0x1e: {  	s7 =	smul.u32 @!p0 $0xF7A, s2;
	p2 =	seq.s32 @!p0 s5, $0x0  }
0x1f: {  	s9 =	smul.u32 $0xF7A, s1;
	s8 =	simm.s32 @!p0 $0x1BF5;
	p2 =	por !p2, p0  }
0x20: {  	[sflag:s8] =	ssyncset.s32 @!p0 $0xFFFFF086;
	s6 =	sadd.s32 @!p0 s3, s7;
	s7 =	simm.s32 @!p0 $0x108  }
0x21: {  	s3 =	sadd.s32 s3, s9;
	s6 =	sadd.s32 @!p0 $0x88, s6;
	s7 =	simm.s32 @p2 $0x1082  }
0x22: {  	[simem:s7], [sflag:s8] =	dma.local @!p0 [hbm:s6], $0xF7A  }
0x23: {  	s9 =	sor.u32 $0xD0000000, s2;
	s6 =	simm.s32 $0x108;
	_ =	swait.ge @!p0 [sflag:s8], $0x0  }
0x24: {  	s3 =	sadd.s32 $0x88, s3;
	s6 =	simm.s32 @!p1 $0x1082;
	[sflag:s4] =	ssyncset.s32 $0xFFFFF086  }
0x25: {  	[simem:s6], [sflag:s4] =	dma.local [hbm:s3], $0xF7A  }
0x26: {  	[smem:$0x3F93] =	sst s1;
	(tag) =	ssettag s2;
	_ =	strace s9  }
0x27: {  	s1 =	sld [smem:$0x3FA3]  }
0x28: {  	s2 =	sld [smem:$0x3FA4]  }
0x29: {  	s4 =	sld [smem:$0x3FA6]  }
0x2a: {  	p0 =	seq.s32 s5, $0x0;
	s5 =	sld [smem:$0x3FA7]  }
0x2b: {  	s6 =	sld [smem:$0x3FA8]  }
0x2c: {  	s7 =	sld [smem:$0x3FA9]  }
0x2d: {  	s3 =	simm.s32 $0x108;
	s8 =	sld [smem:$0x3FAA]  }
0x2e: {  	s3 =	simm.s32 @!p0 $0x1082;
	s9 =	sld [smem:$0x3FAB]  }
0x2f: {  	lr =	sadd.s32 s0, s3;
	s0 =	sld [smem:$0x3FA2]  }
0x30: {  	s3 =	sld [smem:$0x3FA5]  }
0x31: {  	[smem:$0x3FAE] =	sst s10  }
0x32: {  	s10 =	sld [smem:$0x3FAC];
	_ =	sdelay $0x3  }
0x33: {  	p0 =	seq.s32 s10, $0x1;
	s10 =	sld [smem:$0x3FAE];
	_ =	sdelay $0x3  }
0x34: {  	[smem:$0x3FAE] =	sst s10  }
0x35: {  	s10 =	sld [smem:$0x3FAD];
	_ =	sdelay $0x3  }
0x36: {  	p1 =	seq.s32 s10, $0x1;
	s10 =	sld [smem:$0x3FAE];
	_ =	sdelay $0x3  }
0x37: {  	[smem:$0x3FAE] =	sst s10  }
0x38: {  	s10 =	sld [smem:$0x3FAF]  }
0x39: {  	_ = 	snop;
	(pc) =	sbr.ind lr, $3  }
0x3a: {  	_ = 	snop  }
0x3b: {  	_ = 	snop  }
0x3c: {  	p2 =	seq.s32 s10, $0x1;
	s10 =	sld [smem:$0x3FAE]  }
0x3d: {  	_ =	shalt  }
0x3e: {  	_ =	shalt  }
0x3f: {  	_ =	shalt  }
0x40: {  	_ =	shalt  }
0x41: {  	_ =	shalt  }
0x42: {  	_ =	shalt  }
0x43: {  	_ =	shalt  }
0x44: {  	_ =	shalt  }
0x45: {  	_ =	shalt  }
0x46: {  	_ =	shalt  }
0x47: {  	_ =	shalt  }
0x48: {  	_ =	shalt  }
0x49: {  	_ =	shalt  }
0x4a: {  	_ =	shalt  }
0x4b: {  	_ =	shalt  }
0x4c: {  	_ =	shalt  }
0x4d: {  	_ =	shalt  }
0x4e: {  	_ =	shalt  }
0x4f: {  	_ =	shalt  }
0x50: {  	_ =	shalt  }
0x51: {  	_ =	shalt  }
0x52: {  	_ =	shalt  }
0x53: {  	_ =	shalt  }
0x54: {  	_ =	shalt  }
0x55: {  	_ =	shalt  }
0x56: {  	_ =	shalt  }
0x57: {  	_ =	shalt  }
0x58: {  	_ =	shalt  }
0x59: {  	_ =	shalt  }
0x5a: {  	_ =	shalt  }
0x5b: {  	_ =	shalt  }
0x5c: {  	_ =	shalt  }
0x5d: {  	_ =	shalt  }
0x5e: {  	_ =	shalt  }
0x5f: {  	_ =	shalt  }
0x60: {  	_ =	shalt  }
0x61: {  	_ =	shalt  }
0x62: {  	_ =	shalt  }
0x63: {  	_ =	shalt  }
0x64: {  	_ =	shalt  }
0x65: {  	_ =	shalt  }
0x66: {  	_ =	shalt  }
0x67: {  	_ =	shalt  }
0x68: {  	_ =	shalt  }
0x69: {  	_ =	shalt  }
0x6a: {  	_ =	shalt  }
0x6b: {  	_ =	shalt  }
0x6c: {  	_ =	shalt  }
0x6d: {  	_ =	shalt  }
0x6e: {  	_ =	shalt  }
0x6f: {  	_ =	shalt  }
0x70: {  	_ =	shalt  }
0x71: {  	_ =	shalt  }
0x72: {  	_ =	shalt  }
0x73: {  	_ =	shalt  }
0x74: {  	_ =	shalt  }
0x75: {  	_ =	shalt  }
0x76: {  	_ =	shalt  }
0x77: {  	_ =	shalt  }
0x78: {  	_ =	shalt  }
0x79: {  	_ =	shalt  }
0x7a: {  	_ =	shalt  }
0x7b: {  	_ =	shalt  }
0x7c: {  	_ =	shalt  }
0x7d: {  	_ =	shalt  }
0x7e: {  	_ =	shalt  }
0x7f: {  	_ =	shalt  }
0x80: {  	_ =	shalt  }
0x81: {  	_ =	shalt  }
0x82: {  	_ =	shalt  }
0x83: {  	_ =	shalt  }
0x84: {  	_ =	shalt  }
0x85: {  	_ =	shalt  }
0x86: {  	_ =	shalt  }
0x87: {  	_ =	shalt  }
.Lfunc_end0:
.L_simem_size_0:
called_computation.4_lowered:
.L_overlay_start_0:
0x88: {  	s2 =	sld [smem:$0x3FD9]  }
0x89: {  	s3 =	sld [smem:$0x3FFE];
	_ =	sdelay $0x1  }
0x8a: {  	s1 =	srdreg.scid  }
0x8b: {  	s0 =	sand.u32 $0x1, s1  }
0x8c: {  	s16 =	sshll.u32 s0, $0xA;
	s2 =	sadd.s32 s3, s2  }
0x8d: {  	s2 =	sadd.s32 s2, s16  }
0x8e: {  	[smem:$0x3FBA] =	sst s2  }
0x8f: {  	_ = 	snop  }
0x90: {  	(tm) =	ssettm $0x1  }
0x91: {  	s17 =	sld [smem:$0x3FFB];
	_ =	sdelay $0x3  }
0x92: {  	_ =	strace s17  }
0x93: {  	s2 =	sld [smem:$0x3FFC];
	_ =	sdelay $0x3  }
0x94: {  	_ =	strace s2  }
0x95: {  	s2 =	sld [smem:$0x3FFD];
	_ =	sdelay $0x3  }
0x96: {  	_ =	strace s2  }
0x97: {  	_ =	strace $0x8FFFFFFF  }
0x98: {  	s18 =	sld [smem:$0x3FDB];
	_ =	sdelay $0x1  }
0x99: {  	s19 =	simm.s32 $_scs_section_size  }
0x9a: {  	s4 =	simm.s32 $_size__tile_overlayer_lowered;
	s5 =	simm.s32 $_tile_overlayer_lowered  }
0x9b: {  	s22 =	simm.s32 $0x1BFF;
	s21 =	sshll.u32 s5, $0x1;
	s2 =	sadd.s32 s19, s18  }
0x9c: {  	s6 =	simm.s32 $0x0;
	s20 =	sshll.u32 s4, $0x1;
	s4 =	sadd.s32 s21, s2  }
0x9d: {  	[timem:s6], [sflag:s22] =	dma.local [hbm:s4], s20  }
0x9e: {  	_ =	swait.ge [sflag:s22], s20  }
0x9f: {  	s3 =	ssub.s32 $0x0, s20;
	[sflag:s22] =	ssyncset.done $0x0  }
0xa0: {  	[sflag:s22] =	ssyncadd.s32 s3;
	_ =	sdelay $0x1  }
0xa1: {  	s23 =	simm.s32 $0x1B8B  }
0xa2: {  	_ =	swait.ge [sflag:s23], $0x1  }
0xa3: {  	[sflag:s23] =	ssyncset.done $0x0  }
0xa4: {  	s25 =	simm.s32 $0x1B8E;
	s24 =	sld [smem:$0x3FFE];
	[sflag:s23] =	ssyncadd.s32 $0xFFFFFFFF  }
0xa5: {  	s26 =	simm.s32 $execute0_lowered;
	[smem:$0x3FD2] =	sst s25  }
0xa6: {  	s4 =	sshll.u32 s26, $0x1;
	_ =	strace $0x80000052;
	[dreg:$0x1] =	wrdreg $0xFFFFFFFF  }
0xa7: {  	s28 =	simm.s32 $_size_execute0_lowered;
	s2 =	sadd.s32 s2, s4;
	[dreg:$0x0] =	wrdreg $0x0  }
0xa8: {  	s4 =	sshll.u32 s28, $0x1;
	[dreg:$0x2] =	wrdreg s2  }
0xa9: {  	[dreg:$0x3] =	wrdreg s4  }
0xaa: {  	[dreg:$0x4] =	wrdreg $0xC0  }
0xab: {  	_ =	task [dreg:s6], $0x5FFFF  }
0xac: {  	[dreg:$0x1] =	wrdreg $0xFFFFFFFF  }
0xad: {  	[dreg:$0x0] =	wrdreg $0x60  }
0xae: {  	[dreg:$0x2] =	wrdreg s24  }
0xaf: {  	[dreg:$0x3] =	wrdreg $0x9C000  }
0xb0: {  	[dreg:$0x4] =	wrdreg $0x9  }
0xb1: {  	_ =	task.clear_ibuf [dreg:s6], $0x5FFFF;
	_ =	strace $0x90000052  }
0xb2: {  	s29 =	simm.s32 $0x9;
	_ =	strace $0x80000054  }
0xb3: {  	_ =	swait.ge [sflag:s29], $0x1  }
0xb4: {  	[sflag:s29] =	ssyncadd.s32 $0xFFFFFFFF  }
0xb5: {  	_ =	strace $0x90000054  }
0xb6: {  	_ =	sfence  }
0xb7: {  	s30 =	sld [smem:$0x0];
	_ =	sdelay $0x2  }
0xb8: {  	s31 =	sshll.u32 s1, $0xD;
	s1 =	sshrl.u32 s1, $0x2  }
0xb9: {  	s3 =	sand.u32 $0x4000, s31;
	s1 =	sadd.s32 s1, s30  }
0xba: {  	s0 =	sor.u32 s3, s0;
	s1 =	sshll.u32 s1, $0x11  }
0xbb: {  	s0 =	sor.u32 s1, s0  }
0xbc: {  	s0 =	sadd.s32 $0x8F2B, s0  }
0xbd: {  	[sflag:s0] =	ssyncadd.remote.s32 $0x1  }
0xbe: {  	_ =	sfence.sel $0xFFFF  }
0xbf: {  	[dreg:$0x0] =	wrdreg $0xFFFFFFFF;
	(pc) =	sbr.abs _section_cstart, $3  }
0xc0: {  	[dreg:$0x1] =	wrdreg $0xFFFFFFFF  }
0xc1: {  	_ =	task.clear_ibuf [dreg:s6], $0x2FFFF;
	_ =	strace $0x9FFFFFFF  }
0xc2: {  	(tm) =	ssettm $0x7FFFFFFF  }
0xc3: {  	_ =	shalt  }
tec
execute0_lowered:
.L_overlay_start_1:
0x0: {  	(tag) =	ssettag $0x1  }
0x1: {  	s1 =	srdreg.scid  }
0x2: {  	s0 =	stileid.u32;
	s6 =	rddreg [dreg:$0x0]  }
0x3: {  	s2 =	rddreg [dreg:$0x1];
	s3 =	simm.s32 $0x0;
	s14 =	simm.s32 $0x64  }
0x4: {  	s15 =	simm.s32 $0x6800;
	s16 =	simm.s32 $0x1;
	s17 =	simm.s32 $0x0  }
0x5: {  	s5 =	sand.u32 $0x1, s1;
	s29 =	sshll.u32 s0, $0x1;
	s9 =	smul.u32 $0x14000, s0  }
0x6: {  	[smem:$0x7FF] =	sst s3;
	s4 =	sadd.s32 $0x13C00, s6;
	s11 =	smul.u32 $0x50000, s0  }
0x7: {  	s12 =	sshll.u32 s0, $0x6;
	s1 =	sor.u32 s5, s29;
	s8 =	smul.u32 $0x140000, s5  }
0x8: {  	s30 =	ssub.s32 $0x2, s5;
	s5 =	sadd.s32 $0x11400, s6;
	s12 =	sor.u32 $0x1C02, s12  }
0x9: {  	s7 =	smul.u32 $0x680, s1;
	s1 =	rddreg [dreg:$0x2];
	_ =	strace $0x80000053  }
0xa: {  	s10 =	sshrl.u32 s30, $0x1;
	s31 =	sshrl.u32 s11, $0x2;
	s11 =	simm.s32 $0x3400  }
0xb: {  	s8 =	sadd.s32 s9, s8;
	s9 =	ssub.s32 s30, s10;
	s13 =	sadd.s32 s31, s2  }
0xc: {  	s10 =	simm.s32 $0x2;
	s7 =	sadd.s32 s7, s6;
	s8 =	sshrl.u32 s8, $0x3  }
0xd: {  	s9 =	smax.u32 s9, $0x1;
	s13 =	sshrl.u32 s13, $0x3;
	s8 =	sadd.s32 s8, s6  }
0xe: {  	s6 =	sadd.s32 $0x64400, s7;
	s7 =	sadd.s32 $0x4400, s7;
	s8 =	sadd.s32 $0x71400, s8  }
.LBB2_1:
0xf: {  	[tilespmem:s3], [sflag:$0x2] =	stream.linear.gather [hbm4b:s6+s3], $0x3200, $0x38;
	[tilespmem:$0x1DC00] =	vst v63  }
0x10: {  	_ =	swait.ge [sflag:s10], $0x3200  }
0x11: {  	[sflag:s10] =	ssyncset.done $0x0  }
0x12: {  	[sflag:s10] =	ssyncadd.s32 $0xFFFFCE00  }
0x13: {  	[tilespmem:s11], [sflag:$0x2] =	stream.linear.gather [hbm4b:s7+s3], $0x3200, $0x38;
	[tilespmem:$0x1DC00] =	vst v63  }
0x14: {  	_ =	swait.ge [sflag:s10], $0x3200  }
0x15: {  	[sflag:s10] =	ssyncset.done $0x0  }
0x16: {  	[sflag:s10] =	ssyncadd.s32 $0xFFFFCE00  }
0x17: {  	[spmem:s13], [sflag:s12] =	dma.local [hbm:s5], $0x2800  }
0x18: {  	_ =	swait.ge [sflag:s10], $0x2800  }
0x19: {  	[sflag:s10] =	ssyncset.done $0x0  }
0x1a: {  	[sflag:s10] =	ssyncadd.s32 $0xFFFFD800  }
0x1b: {  	s18 =	simm.s32 $0x0;
	[bflag:$0x0] =	sbarrier.arrive $0xFFFF  }
0x1c: {  	[tilespmem:s15], [sflag:$0x1] =	stream.indirect.gather [hbm4b:s4+s14], $0x80, s18, s14, $0xb8;
	[tilespmem:$0x1DC00] =	vst v63  }
0x1d: {  	_ =	swait.ge [sflag:s16], $0x3200  }
0x1e: {  	[sflag:s16] =	ssyncset.done $0x0  }
0x1f: {  	s31 =	simm.s32 $0x3400;
	[sflag:s16] =	ssyncadd.s32 $0xFFFFCE00  }
0x20: {  	[spmem:s2] =	stream.indirect.scatter.add.f32 [tilespmem:s15], [sflag:$0x2], $0x80, s31, s14, $0xb8;
	[tilespmem:$0x1DC00] =	vst v63  }
0x21: {  	_ =	swait.ge [sflag:s10], $0x3200  }
0x22: {  	s19 =	simm.s32 $0x400;
	s18 =	simm.s32 $0x200;
	[sflag:s10] =	ssyncset.done $0x0  }
.LBB2_2:
0x23: {  	s20 =	sshra.s32 s18, $0x2  }
0x24: {  	[sflag:s10] =	ssyncadd.s32 $0xFFFFCE00;
	s18 =	smov.u32 s19;
	s21 =	sadd.s32 $0x200, s19  }
0x25: {  	[tilespmem:s15], [sflag:$0x1] =	stream.indirect.gather [hbm4b:s4+s14], $0x80, s20, s14, $0xb8;
	[tilespmem:$0x1DC00] =	vst v63  }
0x26: {  	p0 =	sne.s32 s19, $0xC600;
	_ =	swait.ge [sflag:s16], $0x3200  }
.Ltmp0:
0x27: {  	[sflag:s16] =	ssyncset.done $0x0;
	(pc) =	sbr.rel @p0 .LBB2_2-.Ltmp0, $4  }
0x28: {  	s19 =	sadd.s32 $0x3400, s20;
	[sflag:s16] =	ssyncadd.s32 $0xFFFFCE00  }
0x29: {  	[spmem:s2] =	stream.indirect.scatter.add.f32 [tilespmem:s15], [sflag:$0x2], $0x80, s19, s14, $0xb8;
	[tilespmem:$0x1DC00] =	vst v63  }
0x2a: {  	_ =	swait.ge [sflag:s10], $0x3200  }
0x2b: {  	s19 =	smov.u32 s21;
	[sflag:s10] =	ssyncset.done $0x0  }
0x2c: {  	s18 =	sshra.s32 s18, $0x2;
	[sflag:s10] =	ssyncadd.s32 $0xFFFFCE00  }
0x2d: {  	[tilespmem:s15], [sflag:$0x1] =	stream.indirect.gather [hbm4b:s4+s14], $0x80, s18, s14, $0xb8;
	[tilespmem:$0x1DC00] =	vst v63  }
0x2e: {  	_ =	swait.ge [sflag:s16], $0x3200  }
0x2f: {  	[sflag:s16] =	ssyncset.done $0x0  }
0x30: {  	s18 =	sadd.s32 $0x3400, s18;
	[sflag:s16] =	ssyncadd.s32 $0xFFFFCE00  }
0x31: {  	[spmem:s2] =	stream.indirect.scatter.add.f32 [tilespmem:s15], [sflag:$0x2], $0x80, s18, s14, $0xb8;
	[tilespmem:$0x1DC00] =	vst v63  }
0x32: {  	_ =	swait.ge [sflag:s10], $0x3200  }
0x33: {  	s17 =	sadd.s32 $0x1, s17;
	[sflag:s10] =	ssyncset.done $0x0  }
0x34: {  	p0 =	sne.s32 s17, s9;
	[sflag:s10] =	ssyncadd.s32 $0xFFFFCE00  }
.Ltmp1:
0x35: {  	[bflag:$0x0] =	sbarrier.arrive $0xFFFF;
	(pc) =	sbr.rel @p0 .LBB2_1-.Ltmp1, $4  }
0x36: {  	[hbm:s8], [sflag:s12] =	dma.local [spmem:s13], $0x2800  }
0x37: {  	_ =	swait.ge [sflag:s10], $0x2800  }
0x38: {  	[sflag:s10] =	ssyncset.done $0x0  }
0x39: {  	[sflag:s10] =	ssyncadd.s32 $0xFFFFD800  }
0x3a: {  	_ =	sfence.sel $0x180000  }
0x3b: {  	[bflag:$0x0] =	sbarrier.arrive $0xFFFF  }
0x3c: {  	p0 =	sne.s32 s0, $0x0;
	_ =	strace $0x90000053  }
0x3d: {  	s0 =	sadd.s32 @!p0 $0x100000, s1;
	[bflag:$0x2] =	sbarrier.arrive $0xFFFF  }
0x3e: {  	[sflag:s0] =	ssyncadd.tile.s32 @!p0 $0x1;
	_ =	shalt  }
.Lfunc_end2:
_tile_overlayer_lowered:
.L_overlay_start_2:
0x3f: {  	(tag) =	ssettag $0x2  }
0x40: {  	s0 =	rddreg [dreg:$0x0];
	s2 =	stileid.u32  }
0x41: {  	s1 =	rddreg [dreg:$0x1];
	p0 =	sne.s32 s2, $0x0  }
0x42: {  	s3 =	rddreg [dreg:$0x2];
	[bflag:$0x3] =	sbarrier.arrive $0xFFFF;
	s2 =	simm.s32 @!p0 $0x1C02  }
0x43: {  	[timem:s3], [sflag:s2] =	dma.local @!p0 [hbm:s0], s1  }
0x44: {  	s0 =	simm.s32 @!p0 $0x2  }
0x45: {  	_ =	swait.ge @!p0 [sflag:s0], s1  }
0x46: {  	s1 =	ssub.s32 @!p0 $0x0, s1;
	[sflag:s0] =	ssyncset.done @!p0 $0x0  }
0x47: {  	[sflag:s0] =	ssyncadd.s32 @!p0 s1  }
0x48: {  	[bflag:$0x3] =	sbarrier.arrive $0xFFFF  }
0x49: {  	_ =	shalt  }

// kernel: kernel.29.cloned.1.call-start
scs
__scs_entry_jumppad:
0x0: {  	(pc) =	sbr.rel $0x88, $3  }
0x1: {  	(tag) =	ssettag $0x0;
	lr =	simm.s32 $0x1  }
0x2: {  	[smem:$0x3F93] =	sst lr;
	_ =	strace $0xD0000000  }
0x3: {  	_ = 	snop  }
0x4: {  	_ = 	snop  }
0x5: {  	_ = 	snop  }
0x6: {  	_ = 	snop  }
0x7: {  	_ = 	snop  }
__scs_overlays_trampoline_lowered:
0x8: {  	[smem:$0x3FA2] =	sst s0  }
0x9: {  	[smem:$0x3FA3] =	sst s1  }
0xa: {  	[smem:$0x3FA4] =	sst s2  }
0xb: {  	[smem:$0x3FA5] =	sst s3  }
0xc: {  	[smem:$0x3FA6] =	sst s4  }
0xd: {  	[smem:$0x3FA7] =	sst s5  }
0xe: {  	[smem:$0x3FA8] =	sst s6  }
0xf: {  	[smem:$0x3FA9] =	sst s7  }
0x10: {  	[smem:$0x3FAA] =	sst s8  }
0x11: {  	[smem:$0x3FAB] =	sst s9;
	s0 =	simm.s32 @!p0 $0x0  }
0x12: {  	s1 =	sld [smem:$0x3F91];
	s0 =	simm.s32 @p0 $0x1  }
0x13: {  	[smem:$0x3FAC] =	sst s0;
	s0 =	simm.s32 @!p1 $0x0  }
0x14: {  	s2 =	sld [smem:$0x3F90];
	s0 =	simm.s32 @p1 $0x1  }
0x15: {  	[smem:$0x3FAD] =	sst s0;
	s0 =	simm.s32 @!p2 $0x0  }
0x16: {  	s3 =	sld [smem:$0x3FDB];
	s0 =	simm.s32 @p2 $0x1  }
0x17: {  	s4 =	simm.s32 $0x1BF5;
	[smem:$0x3FAF] =	sst s0  }
0x18: {  	s0 =	sld [smem:$0x3F92];
	_ =	swait.ge [sflag:s4], $0x0  }
0x19: {  	s7 =	sld [smem:$0x3F93]  }
0x1a: {  	s8 =	sadd.s32 $0xFFFFE003, lr  }
0x1b: {  	s9 =	sadd.s32 $0xFFFFFEF7, lr;
	s5 =	simm.s32 $0xFFFFFFFF;
	p2 =	slt.u32 s8, $0xFFFFF086  }
0x1c: {  	p1 =	slt.u32 s9, $0xF7A;
	s5 =	simm.s32 @!p2 $0x0  }
0x1d: {  	s5 =	simm.s32 @p1 $0x1;
	p0 =	seq.s32 s7, s2  }
0x1e: {  	s7 =	smul.u32 @!p0 $0xF7A, s2;
	p2 =	seq.s32 @!p0 s5, $0x0  }
0x1f: {  	s9 =	smul.u32 $0xF7A, s1;
	s8 =	simm.s32 @!p0 $0x1BF5;
	p2 =	por !p2, p0  }
0x20: {  	[sflag:s8] =	ssyncset.s32 @!p0 $0xFFFFF086;
	s6 =	sadd.s32 @!p0 s3, s7;
	s7 =	simm.s32 @!p0 $0x108  }
0x21: {  	s3 =	sadd.s32 s3, s9;
	s6 =	sadd.s32 @!p0 $0x88, s6;
	s7 =	simm.s32 @p2 $0x1082  }
0x22: {  	[simem:s7], [sflag:s8] =	dma.local @!p0 [hbm:s6], $0xF7A  }
0x23: {  	s9 =	sor.u32 $0xD0000000, s2;
	s6 =	simm.s32 $0x108;
	_ =	swait.ge @!p0 [sflag:s8], $0x0  }
0x24: {  	s3 =	sadd.s32 $0x88, s3;
	s6 =	simm.s32 @!p1 $0x1082;
	[sflag:s4] =	ssyncset.s32 $0xFFFFF086  }
0x25: {  	[simem:s6], [sflag:s4] =	dma.local [hbm:s3], $0xF7A  }
0x26: {  	[smem:$0x3F93] =	sst s1;
	(tag) =	ssettag s2;
	_ =	strace s9  }
0x27: {  	s1 =	sld [smem:$0x3FA3]  }
0x28: {  	s2 =	sld [smem:$0x3FA4]  }
0x29: {  	s4 =	sld [smem:$0x3FA6]  }
0x2a: {  	p0 =	seq.s32 s5, $0x0;
	s5 =	sld [smem:$0x3FA7]  }
0x2b: {  	s6 =	sld [smem:$0x3FA8]  }
0x2c: {  	s7 =	sld [smem:$0x3FA9]  }
0x2d: {  	s3 =	simm.s32 $0x108;
	s8 =	sld [smem:$0x3FAA]  }
0x2e: {  	s3 =	simm.s32 @!p0 $0x1082;
	s9 =	sld [smem:$0x3FAB]  }
0x2f: {  	lr =	sadd.s32 s0, s3;
	s0 =	sld [smem:$0x3FA2]  }
0x30: {  	s3 =	sld [smem:$0x3FA5]  }
0x31: {  	[smem:$0x3FAE] =	sst s10  }
0x32: {  	s10 =	sld [smem:$0x3FAC];
	_ =	sdelay $0x3  }
0x33: {  	p0 =	seq.s32 s10, $0x1;
	s10 =	sld [smem:$0x3FAE];
	_ =	sdelay $0x3  }
0x34: {  	[smem:$0x3FAE] =	sst s10  }
0x35: {  	s10 =	sld [smem:$0x3FAD];
	_ =	sdelay $0x3  }
0x36: {  	p1 =	seq.s32 s10, $0x1;
	s10 =	sld [smem:$0x3FAE];
	_ =	sdelay $0x3  }
0x37: {  	[smem:$0x3FAE] =	sst s10  }
0x38: {  	s10 =	sld [smem:$0x3FAF]  }
0x39: {  	_ = 	snop;
	(pc) =	sbr.ind lr, $3  }
0x3a: {  	_ = 	snop  }
0x3b: {  	_ = 	snop  }
0x3c: {  	p2 =	seq.s32 s10, $0x1;
	s10 =	sld [smem:$0x3FAE]  }
0x3d: {  	_ =	shalt  }
0x3e: {  	_ =	shalt  }
0x3f: {  	_ =	shalt  }
0x40: {  	_ =	shalt  }
0x41: {  	_ =	shalt  }
0x42: {  	_ =	shalt  }
0x43: {  	_ =	shalt  }
0x44: {  	_ =	shalt  }
0x45: {  	_ =	shalt  }
0x46: {  	_ =	shalt  }
0x47: {  	_ =	shalt  }
0x48: {  	_ =	shalt  }
0x49: {  	_ =	shalt  }
0x4a: {  	_ =	shalt  }
0x4b: {  	_ =	shalt  }
0x4c: {  	_ =	shalt  }
0x4d: {  	_ =	shalt  }
0x4e: {  	_ =	shalt  }
0x4f: {  	_ =	shalt  }
0x50: {  	_ =	shalt  }
0x51: {  	_ =	shalt  }
0x52: {  	_ =	shalt  }
0x53: {  	_ =	shalt  }
0x54: {  	_ =	shalt  }
0x55: {  	_ =	shalt  }
0x56: {  	_ =	shalt  }
0x57: {  	_ =	shalt  }
0x58: {  	_ =	shalt  }
0x59: {  	_ =	shalt  }
0x5a: {  	_ =	shalt  }
0x5b: {  	_ =	shalt  }
0x5c: {  	_ =	shalt  }
0x5d: {  	_ =	shalt  }
0x5e: {  	_ =	shalt  }
0x5f: {  	_ =	shalt  }
0x60: {  	_ =	shalt  }
0x61: {  	_ =	shalt  }
0x62: {  	_ =	shalt  }
0x63: {  	_ =	shalt  }
0x64: {  	_ =	shalt  }
0x65: {  	_ =	shalt  }
0x66: {  	_ =	shalt  }
0x67: {  	_ =	shalt  }
0x68: {  	_ =	shalt  }
0x69: {  	_ =	shalt  }
0x6a: {  	_ =	shalt  }
0x6b: {  	_ =	shalt  }
0x6c: {  	_ =	shalt  }
0x6d: {  	_ =	shalt  }
0x6e: {  	_ =	shalt  }
0x6f: {  	_ =	shalt  }
0x70: {  	_ =	shalt  }
0x71: {  	_ =	shalt  }
0x72: {  	_ =	shalt  }
0x73: {  	_ =	shalt  }
0x74: {  	_ =	shalt  }
0x75: {  	_ =	shalt  }
0x76: {  	_ =	shalt  }
0x77: {  	_ =	shalt  }
0x78: {  	_ =	shalt  }
0x79: {  	_ =	shalt  }
0x7a: {  	_ =	shalt  }
0x7b: {  	_ =	shalt  }
0x7c: {  	_ =	shalt  }
0x7d: {  	_ =	shalt  }
0x7e: {  	_ =	shalt  }
0x7f: {  	_ =	shalt  }
0x80: {  	_ =	shalt  }
0x81: {  	_ =	shalt  }
0x82: {  	_ =	shalt  }
0x83: {  	_ =	shalt  }
0x84: {  	_ =	shalt  }
0x85: {  	_ =	shalt  }
0x86: {  	_ =	shalt  }
0x87: {  	_ =	shalt  }
.Lfunc_end0:
.L_simem_size_0:
called_computation.5_lowered:
.L_overlay_start_0:
0x88: {  	s2 =	sld [smem:$0x3FD9]  }
0x89: {  	s3 =	sld [smem:$0x3FFE];
	_ =	sdelay $0x1  }
0x8a: {  	s1 =	srdreg.scid  }
0x8b: {  	s0 =	sand.u32 $0x1, s1  }
0x8c: {  	s16 =	sshll.u32 s0, $0xA;
	s2 =	sadd.s32 s3, s2  }
0x8d: {  	s2 =	sadd.s32 s2, s16  }
0x8e: {  	[smem:$0x3FBA] =	sst s2  }
0x8f: {  	_ = 	snop  }
0x90: {  	(tm) =	ssettm $0x1  }
0x91: {  	s17 =	sld [smem:$0x3FFB];
	_ =	sdelay $0x3  }
0x92: {  	_ =	strace s17  }
0x93: {  	s2 =	sld [smem:$0x3FFC];
	_ =	sdelay $0x3  }
0x94: {  	_ =	strace s2  }
0x95: {  	s2 =	sld [smem:$0x3FFD];
	_ =	sdelay $0x3  }
0x96: {  	_ =	strace s2  }
0x97: {  	_ =	strace $0x8FFFFFFF  }
0x98: {  	s18 =	sld [smem:$0x3FDB];
	_ =	sdelay $0x1  }
0x99: {  	s19 =	simm.s32 $_scs_section_size  }
0x9a: {  	s4 =	simm.s32 $_size__tile_overlayer_lowered;
	s5 =	simm.s32 $_tile_overlayer_lowered  }
0x9b: {  	s22 =	simm.s32 $0x1BFF;
	s21 =	sshll.u32 s5, $0x1;
	s2 =	sadd.s32 s19, s18  }
0x9c: {  	s6 =	simm.s32 $0x0;
	s20 =	sshll.u32 s4, $0x1;
	s4 =	sadd.s32 s21, s2  }
0x9d: {  	[timem:s6], [sflag:s22] =	dma.local [hbm:s4], s20  }
0x9e: {  	_ =	swait.ge [sflag:s22], s20  }
0x9f: {  	s3 =	ssub.s32 $0x0, s20;
	[sflag:s22] =	ssyncset.done $0x0  }
0xa0: {  	[sflag:s22] =	ssyncadd.s32 s3;
	_ =	sdelay $0x1  }
0xa1: {  	s23 =	simm.s32 $0x1B8B  }
0xa2: {  	_ =	swait.ge [sflag:s23], $0x1  }
0xa3: {  	[sflag:s23] =	ssyncset.done $0x0  }
0xa4: {  	s25 =	simm.s32 $0x1B8E;
	s24 =	sld [smem:$0x3FFE];
	[sflag:s23] =	ssyncadd.s32 $0xFFFFFFFF  }
0xa5: {  	s26 =	simm.s32 $execute0_lowered;
	[smem:$0x3FD2] =	sst s25  }
0xa6: {  	s4 =	sshll.u32 s26, $0x1;
	_ =	strace $0x80000055;
	[dreg:$0x1] =	wrdreg $0xFFFFFFFF  }
0xa7: {  	s28 =	simm.s32 $_size_execute0_lowered;
	s2 =	sadd.s32 s2, s4;
	[dreg:$0x0] =	wrdreg $0x0  }
0xa8: {  	s4 =	sshll.u32 s28, $0x1;
	[dreg:$0x2] =	wrdreg s2  }
0xa9: {  	[dreg:$0x3] =	wrdreg s4  }
0xaa: {  	[dreg:$0x4] =	wrdreg $0xC0  }
0xab: {  	_ =	task [dreg:s6], $0x5FFFF  }
0xac: {  	[dreg:$0x1] =	wrdreg $0xFFFFFFFF  }
0xad: {  	[dreg:$0x0] =	wrdreg $0x60  }
0xae: {  	[dreg:$0x2] =	wrdreg s24  }
0xaf: {  	[dreg:$0x3] =	wrdreg $0x9C000  }
0xb0: {  	[dreg:$0x4] =	wrdreg $0x9  }
0xb1: {  	_ =	task.clear_ibuf [dreg:s6], $0x5FFFF;
	_ =	strace $0x90000055  }
0xb2: {  	s29 =	simm.s32 $0x9;
	_ =	strace $0x80000057  }
0xb3: {  	_ =	swait.ge [sflag:s29], $0x1  }
0xb4: {  	[sflag:s29] =	ssyncadd.s32 $0xFFFFFFFF  }
0xb5: {  	_ =	strace $0x90000057  }
0xb6: {  	_ =	sfence  }
0xb7: {  	s30 =	sld [smem:$0x0];
	_ =	sdelay $0x2  }
0xb8: {  	s31 =	sshll.u32 s1, $0xD;
	s1 =	sshrl.u32 s1, $0x2  }
0xb9: {  	s3 =	sand.u32 $0x4000, s31;
	s1 =	sadd.s32 s1, s30  }
0xba: {  	s0 =	sor.u32 s3, s0;
	s1 =	sshll.u32 s1, $0x11  }
0xbb: {  	s0 =	sor.u32 s1, s0  }
0xbc: {  	s0 =	sadd.s32 $0x8F2B, s0  }
0xbd: {  	[sflag:s0] =	ssyncadd.remote.s32 $0x1  }
0xbe: {  	_ =	sfence.sel $0xFFFF  }
0xbf: {  	[dreg:$0x0] =	wrdreg $0xFFFFFFFF;
	(pc) =	sbr.abs _section_cstart, $3  }
0xc0: {  	[dreg:$0x1] =	wrdreg $0xFFFFFFFF  }
0xc1: {  	_ =	task.clear_ibuf [dreg:s6], $0x2FFFF;
	_ =	strace $0x9FFFFFFF  }
0xc2: {  	(tm) =	ssettm $0x7FFFFFFF  }
0xc3: {  	_ =	shalt  }
tec
execute0_lowered:
.L_overlay_start_1:
0x0: {  	(tag) =	ssettag $0x1  }
0x1: {  	s1 =	srdreg.scid  }
0x2: {  	s0 =	stileid.u32;
	s6 =	rddreg [dreg:$0x0]  }
0x3: {  	s2 =	rddreg [dreg:$0x1];
	s3 =	simm.s32 $0x0;
	s14 =	simm.s32 $0x64  }
0x4: {  	s15 =	simm.s32 $0x6800;
	s16 =	simm.s32 $0x1;
	s17 =	simm.s32 $0x0  }
0x5: {  	s5 =	sand.u32 $0x1, s1;
	s29 =	sshll.u32 s0, $0x1;
	s9 =	smul.u32 $0x14000, s0  }
0x6: {  	[smem:$0x7FF] =	sst s3;
	s4 =	sadd.s32 $0x13C00, s6;
	s11 =	smul.u32 $0x50000, s0  }
0x7: {  	s12 =	sshll.u32 s0, $0x6;
	s1 =	sor.u32 s5, s29;
	s8 =	smul.u32 $0x140000, s5  }
0x8: {  	s30 =	ssub.s32 $0x2, s5;
	s5 =	sadd.s32 $0x11400, s6;
	s12 =	sor.u32 $0x1C02, s12  }
0x9: {  	s7 =	smul.u32 $0x680, s1;
	s1 =	rddreg [dreg:$0x2];
	_ =	strace $0x80000056  }
0xa: {  	s10 =	sshrl.u32 s30, $0x1;
	s31 =	sshrl.u32 s11, $0x2;
	s11 =	simm.s32 $0x3400  }
0xb: {  	s8 =	sadd.s32 s9, s8;
	s9 =	ssub.s32 s30, s10;
	s13 =	sadd.s32 s31, s2  }
0xc: {  	s10 =	simm.s32 $0x2;
	s7 =	sadd.s32 s7, s6;
	s8 =	sshrl.u32 s8, $0x3  }
0xd: {  	s9 =	smax.u32 s9, $0x1;
	s13 =	sshrl.u32 s13, $0x3;
	s8 =	sadd.s32 s8, s6  }
0xe: {  	s6 =	sadd.s32 $0x64400, s7;
	s7 =	sadd.s32 $0x4400, s7;
	s8 =	sadd.s32 $0x71400, s8  }
.LBB2_1:
0xf: {  	[tilespmem:s3], [sflag:$0x2] =	stream.linear.gather [hbm4b:s6+s3], $0x3200, $0x38;
	[tilespmem:$0x1DC00] =	vst v63  }
0x10: {  	_ =	swait.ge [sflag:s10], $0x3200  }
0x11: {  	[sflag:s10] =	ssyncset.done $0x0  }
0x12: {  	[sflag:s10] =	ssyncadd.s32 $0xFFFFCE00  }
0x13: {  	[tilespmem:s11], [sflag:$0x2] =	stream.linear.gather [hbm4b:s7+s3], $0x3200, $0x38;
	[tilespmem:$0x1DC00] =	vst v63  }
0x14: {  	_ =	swait.ge [sflag:s10], $0x3200  }
0x15: {  	[sflag:s10] =	ssyncset.done $0x0  }
0x16: {  	[sflag:s10] =	ssyncadd.s32 $0xFFFFCE00  }
0x17: {  	[spmem:s13], [sflag:s12] =	dma.local [hbm:s5], $0x2800  }
0x18: {  	_ =	swait.ge [sflag:s10], $0x2800  }
0x19: {  	[sflag:s10] =	ssyncset.done $0x0  }
0x1a: {  	[sflag:s10] =	ssyncadd.s32 $0xFFFFD800  }
0x1b: {  	s18 =	simm.s32 $0x0;
	[bflag:$0x0] =	sbarrier.arrive $0xFFFF  }
0x1c: {  	[tilespmem:s15], [sflag:$0x1] =	stream.indirect.gather [hbm4b:s4+s14], $0x80, s18, s14, $0xb8;
	[tilespmem:$0x1DC00] =	vst v63  }
0x1d: {  	_ =	swait.ge [sflag:s16], $0x3200  }
0x1e: {  	[sflag:s16] =	ssyncset.done $0x0  }
0x1f: {  	s31 =	simm.s32 $0x3400;
	[sflag:s16] =	ssyncadd.s32 $0xFFFFCE00  }
0x20: {  	[spmem:s2] =	stream.indirect.scatter.add.f32 [tilespmem:s15], [sflag:$0x2], $0x80, s31, s14, $0xb8;
	[tilespmem:$0x1DC00] =	vst v63  }
0x21: {  	_ =	swait.ge [sflag:s10], $0x3200  }
0x22: {  	s19 =	simm.s32 $0x400;
	s18 =	simm.s32 $0x200;
	[sflag:s10] =	ssyncset.done $0x0  }
.LBB2_2:
0x23: {  	s20 =	sshra.s32 s18, $0x2  }
0x24: {  	[sflag:s10] =	ssyncadd.s32 $0xFFFFCE00;
	s18 =	smov.u32 s19;
	s21 =	sadd.s32 $0x200, s19  }
0x25: {  	[tilespmem:s15], [sflag:$0x1] =	stream.indirect.gather [hbm4b:s4+s14], $0x80, s20, s14, $0xb8;
	[tilespmem:$0x1DC00] =	vst v63  }
0x26: {  	p0 =	sne.s32 s19, $0xC600;
	_ =	swait.ge [sflag:s16], $0x3200  }
.Ltmp0:
0x27: {  	[sflag:s16] =	ssyncset.done $0x0;
	(pc) =	sbr.rel @p0 .LBB2_2-.Ltmp0, $4  }
0x28: {  	s19 =	sadd.s32 $0x3400, s20;
	[sflag:s16] =	ssyncadd.s32 $0xFFFFCE00  }
0x29: {  	[spmem:s2] =	stream.indirect.scatter.add.f32 [tilespmem:s15], [sflag:$0x2], $0x80, s19, s14, $0xb8;
	[tilespmem:$0x1DC00] =	vst v63  }
0x2a: {  	_ =	swait.ge [sflag:s10], $0x3200  }
0x2b: {  	s19 =	smov.u32 s21;
	[sflag:s10] =	ssyncset.done $0x0  }
0x2c: {  	s18 =	sshra.s32 s18, $0x2;
	[sflag:s10] =	ssyncadd.s32 $0xFFFFCE00  }
0x2d: {  	[tilespmem:s15], [sflag:$0x1] =	stream.indirect.gather [hbm4b:s4+s14], $0x80, s18, s14, $0xb8;
	[tilespmem:$0x1DC00] =	vst v63  }
0x2e: {  	_ =	swait.ge [sflag:s16], $0x3200  }
0x2f: {  	[sflag:s16] =	ssyncset.done $0x0  }
0x30: {  	s18 =	sadd.s32 $0x3400, s18;
	[sflag:s16] =	ssyncadd.s32 $0xFFFFCE00  }
0x31: {  	[spmem:s2] =	stream.indirect.scatter.add.f32 [tilespmem:s15], [sflag:$0x2], $0x80, s18, s14, $0xb8;
	[tilespmem:$0x1DC00] =	vst v63  }
0x32: {  	_ =	swait.ge [sflag:s10], $0x3200  }
0x33: {  	s17 =	sadd.s32 $0x1, s17;
	[sflag:s10] =	ssyncset.done $0x0  }
0x34: {  	p0 =	sne.s32 s17, s9;
	[sflag:s10] =	ssyncadd.s32 $0xFFFFCE00  }
.Ltmp1:
0x35: {  	[bflag:$0x0] =	sbarrier.arrive $0xFFFF;
	(pc) =	sbr.rel @p0 .LBB2_1-.Ltmp1, $4  }
0x36: {  	[hbm:s8], [sflag:s12] =	dma.local [spmem:s13], $0x2800  }
0x37: {  	_ =	swait.ge [sflag:s10], $0x2800  }
0x38: {  	[sflag:s10] =	ssyncset.done $0x0  }
0x39: {  	[sflag:s10] =	ssyncadd.s32 $0xFFFFD800  }
0x3a: {  	_ =	sfence.sel $0x180000  }
0x3b: {  	[bflag:$0x0] =	sbarrier.arrive $0xFFFF  }
0x3c: {  	p0 =	sne.s32 s0, $0x0;
	_ =	strace $0x90000056  }
0x3d: {  	s0 =	sadd.s32 @!p0 $0x100000, s1;
	[bflag:$0x2] =	sbarrier.arrive $0xFFFF  }
0x3e: {  	[sflag:s0] =	ssyncadd.tile.s32 @!p0 $0x1;
	_ =	shalt  }
.Lfunc_end2:
_tile_overlayer_lowered:
.L_overlay_start_2:
0x3f: {  	(tag) =	ssettag $0x2  }
0x40: {  	s0 =	rddreg [dreg:$0x0];
	s2 =	stileid.u32  }
0x41: {  	s1 =	rddreg [dreg:$0x1];
	p0 =	sne.s32 s2, $0x0  }
0x42: {  	s3 =	rddreg [dreg:$0x2];
	[bflag:$0x3] =	sbarrier.arrive $0xFFFF;
	s2 =	simm.s32 @!p0 $0x1C02  }
0x43: {  	[timem:s3], [sflag:s2] =	dma.local @!p0 [hbm:s0], s1  }
0x44: {  	s0 =	simm.s32 @!p0 $0x2  }
0x45: {  	_ =	swait.ge @!p0 [sflag:s0], s1  }
0x46: {  	s1 =	ssub.s32 @!p0 $0x0, s1;
	[sflag:s0] =	ssyncset.done @!p0 $0x0  }
0x47: {  	[sflag:s0] =	ssyncadd.s32 @!p0 s1  }
0x48: {  	[bflag:$0x3] =	sbarrier.arrive $0xFFFF  }
0x49: {  	_ =	shalt  }

</sc_bundles>
